<compile_context>
chip_gen: v7x
topology: tpu7x:2x2x1
jax: 0.10.2.dev20260603
libtpu: 0.0.44.dev20260713+nightly
codegen_flags: <defaults>
</compile_context>

<pallas_src>
import functools

import jax
import jax.numpy as jnp
from jax import lax
from jax.experimental import pallas as pl
from jax.experimental.pallas import tpu as pltpu
from jax.experimental.pallas import tpu_sc as plsc

_N_E = 8192
_D = 32
_N = 8192
_RB = 1024
_KB = 512


def _argmin_body(z_ref, cb_ref, c_ref, idx_ref, dmin_ref):
    zm2 = -2.0 * z_ref[0]
    a = 0.25 * jnp.sum(zm2 * zm2, axis=0, keepdims=True)
    run_min = jnp.full((1, _RB), jnp.inf, dtype=jnp.float32)
    run_idx = jnp.zeros((1, _RB), dtype=jnp.float32)
    iota = lax.broadcasted_iota(jnp.int32, (_KB, _RB), 0).astype(jnp.float32)

    kc = _N_E // _KB
    for k in range(kc):
        e = cb_ref[pl.ds(k * _KB, _KB), :]
        mm = lax.dot_general(e, zm2, (((1,), (0,)), ((), ())),
                             preferred_element_type=jnp.float32)
        c = c_ref[pl.ds(k * _KB, _KB), :]
        d = (a + mm) + c
        m = jnp.min(d, axis=0, keepdims=True)
        li = jnp.min(jnp.where(d == m, iota, 3e38), axis=0, keepdims=True)
        better = m < run_min
        run_idx = jnp.where(better, li + jnp.float32(k * _KB), run_idx)
        run_min = jnp.where(better, m, run_min)

    idx_ref[...] = run_idx.astype(jnp.int32).reshape(1, 1, _RB)
    dmin_ref[...] = run_min.reshape(1, 1, _RB)


def _nearest_codes(z3, cb, c_t):
    nb = _N // _RB
    return pl.pallas_call(
        _argmin_body,
        grid=(nb,),
        in_specs=[
            pl.BlockSpec((1, _D, _RB), lambda i: (i, 0, 0)),
            pl.BlockSpec((_N_E, _D), lambda i: (0, 0)),
            pl.BlockSpec((_N_E, 1), lambda i: (0, 0)),
        ],
        out_specs=[
            pl.BlockSpec((1, 1, _RB), lambda i: (i, 0, 0)),
            pl.BlockSpec((1, 1, _RB), lambda i: (i, 0, 0)),
        ],
        out_shape=[
            jax.ShapeDtypeStruct((nb, 1, _RB), jnp.int32),
            jax.ShapeDtypeStruct((nb, 1, _RB), jnp.float32),
        ],
    )(z3, cb, c_t)


def _sc_gather(cb, idx2d):
    info = plsc.get_sparse_core_info()
    nc, ns = info.num_cores, info.num_subcores
    nw = nc * ns
    rows_w = _N // nw
    jn = rows_w // 128
    mesh = plsc.VectorSubcoreMesh(core_axis_name="c", subcore_axis_name="s")

    @functools.partial(
        pl.kernel, mesh=mesh,
        out_type=jax.ShapeDtypeStruct((_N, _D), jnp.float32),
        compiler_params=pltpu.CompilerParams(use_tc_tiling_on_sc=False),
        scratch_types=[
            pltpu.VMEM((jn, 128), jnp.int32),
            pltpu.VMEM((rows_w, _D), jnp.float32),
            pltpu.SemaphoreType.DMA,
        ],
    )
    def gather_k(cb_hbm, idx_hbm, out_hbm, idx_v, rows_v, sem):
        wid = lax.axis_index("s") * nc + lax.axis_index("c")
        pltpu.sync_copy(idx_hbm.at[pl.ds(wid * jn, jn)], idx_v)
        copies = [
            pltpu.async_copy(cb_hbm.at[idx_v.at[j]],
                             rows_v.at[pl.ds(j * 128, 128)], sem)
            for j in range(jn)
        ]
        for cp in copies:
            cp.wait()
        pltpu.sync_copy(rows_v, out_hbm.at[pl.ds(wid * rows_w, rows_w)])

    return gather_k(cb, idx2d)


def _ste_body(zq_ref, z_ref, out_ref):
    nb = z_ref.shape[0]
    hw = z_ref.shape[2]
    zq_t = zq_ref[...].T
    for b in range(nb):
        z = z_ref[b]
        out_ref[b, :, :] = z + (zq_t[:, b * hw:(b + 1) * hw] - z)


def _ste_transpose(zq_flat, z3):
    bh = 4
    return pl.pallas_call(
        _ste_body,
        grid=(z3.shape[0] // bh,),
        in_specs=[
            pl.BlockSpec((bh * 1024, _D), lambda i: (i, 0)),
            pl.BlockSpec((bh, _D, 1024), lambda i: (i, 0, 0)),
        ],
        out_specs=pl.BlockSpec((bh, _D, 1024), lambda i: (i, 0, 0)),
        out_shape=jax.ShapeDtypeStruct(z3.shape, jnp.float32),
    )(zq_flat, z3)


def kernel(z, codebook):
    bz, ch, hh, ww = z.shape
    z3 = z.reshape(bz, ch, hh * ww)
    c = jnp.sum(codebook.T ** 2, axis=0)

    idx_b, dmin_b = _nearest_codes(z3, codebook, c.reshape(_N_E, 1))

    zq_flat = _sc_gather(codebook, idx_b.reshape(_N // 128, 128))

    z_q = _ste_transpose(zq_flat, z3).reshape(z.shape)
    loss = 2.0 * (jnp.sum(dmin_b) / (1.0 * z.size))
    return (z_q, jnp.float32(loss), idx_b.reshape(bz, hh * ww))

# --- scband reference (transcript-rebuilt; emitter-appended) ---
"""Pipeline reference for scband-vector-quantizer-24369644438016 (READ-ONLY COPY).

The authoritative reference and input builder live on the scoring server;
editing this copy changes nothing except your own understanding.
"""

import jax, jax.numpy as jnp
import numpy as np

N_E = 8192
E_DIM = 32
BETA = 1.0


def setup_inputs(seed: int = 0) -> dict:
    key = jax.random.key(seed)
    k1, k2 = jax.random.split(key)
    z = jax.random.normal(k1, (8, 32, 32, 32), dtype=jnp.float32)
    codebook = jax.random.uniform(k2, (N_E, E_DIM), dtype=jnp.float32,
                                  minval=-1.0 / N_E, maxval=1.0 / N_E)
    return {"z": z, "codebook": codebook}


def reference(z, codebook):
    # z: [B, C, H, W] -> [B, H, W, C]
    zp = jnp.transpose(z, (0, 2, 3, 1))
    bz = zp.shape[0]
    z_flat = zp.reshape(bz, -1, E_DIM)
    # squared-distance: ||z||^2 - 2 z.e + ||e||^2
    d = (jnp.sum(z_flat ** 2, axis=-1, keepdims=True)
         - 2.0 * (z_flat @ codebook.T)
         + jnp.sum(codebook.T ** 2, axis=0, keepdims=True))
    min_encoding_indices = jnp.argmin(d, axis=-1)  # [B, HW]
    z_q = jnp.take(codebook, min_encoding_indices, axis=0).reshape(zp.shape)
    loss = (BETA * jnp.mean((jax.lax.stop_gradient(z_q) - zp) ** 2)
            + jnp.mean((z_q - jax.lax.stop_gradient(zp)) ** 2))
    # straight-through estimator
    z_q = zp + jax.lax.stop_gradient(z_q - zp)
    z_q = jnp.transpose(z_q, (0, 3, 1, 2))
    return (z_q, loss, min_encoding_indices)

if __name__ == "__main__":
    import jax
    _d = setup_inputs()
    print(jax.jit(kernel)(*tuple(_d.values())))

</pallas_src>

<mosaic_0001>
#map = affine_map<(d0, d1) -> (0, 0)>
module attributes {stable_mosaic.version = 14 : i64} {
  func.func @gather_k(%arg0: i32, %arg1: i32, %arg2: memref<8192x32xf32, #tpu.memory_space<hbm>>, %arg3: memref<64x128xi32, #tpu.memory_space<hbm>>, %arg4: memref<8192x32xf32, #tpu.memory_space<hbm>>, %arg5: memref<2x128xi32, #tpu.memory_space<vmem>>, %arg6: memref<256x32xf32, #tpu.memory_space<vmem>>, %arg7: memref<!tpu.dma_semaphore, #tpu.memory_space<semaphore_mem>>) attributes {dimension_semantics = [#tpu.dimension_semantics<core_parallel>, #tpu.dimension_semantics<subcore_parallel>], iteration_bounds = array<i64: 2, 16>, scalar_prefetch = 0 : i64, scratch_operands = 3 : i64, tpu.core_type = #tpu.core_type<sc_vector_subcore>, window_params = [{transform_indices = #map}, {transform_indices = #map}, {transform_indices = #map}]} {
    %mul3A = arith.constant 2 : i32
    %mul3A_0 = arith.muli %arg1, %mul3A : i32
    %add3A = arith.addi %mul3A_0, %arg0 : i32
    %mul3A_1 = arith.constant 2 : i32
    %mul3A_2 = arith.muli %add3A, %mul3A_1 : i32
    "tpu.region"() ({
      %run_scoped3A = tpu.sem_alloc : memref<!tpu.dma_semaphore, #tpu.memory_space<semaphore_mem>>
      %dma_start3A_43 = arith.constant 0 : i32
      %dma_start3A_44 = tpu.memref_slice %arg3[%mul3A_2, %dma_start3A_43] : memref<64x128xi32, #tpu.memory_space<hbm>> -> memref<2x128xi32, #tpu.memory_space<hbm>>
      %dma_start3A_45 = arith.constant 0 : i32
      %dma_start3A_46 = tpu.memref_slice %arg3[%mul3A_2, %dma_start3A_45] : memref<64x128xi32, #tpu.memory_space<hbm>> -> memref<2x128xi32, #tpu.memory_space<hbm>>
      tpu.enqueue_dma source(%dma_start3A_46 : memref<2x128xi32, #tpu.memory_space<hbm>>) target(%arg5 : memref<2x128xi32, #tpu.memory_space<vmem>>) target_semaphore(%run_scoped3A : memref<!tpu.dma_semaphore, #tpu.memory_space<semaphore_mem>>)
      %dma_wait3A_47 = arith.constant 0 : i32
      %dma_wait3A_48 = tpu.memref_slice %arg3[%mul3A_2, %dma_wait3A_47] : memref<64x128xi32, #tpu.memory_space<hbm>> -> memref<2x128xi32, #tpu.memory_space<hbm>>
      %dma_wait3A_49 = arith.constant 0 : i32
      %dma_wait3A_50 = tpu.memref_slice %arg3[%mul3A_2, %dma_wait3A_49] : memref<64x128xi32, #tpu.memory_space<hbm>> -> memref<2x128xi32, #tpu.memory_space<hbm>>
      tpu.wait_dma2 semaphore(%run_scoped3A : memref<!tpu.dma_semaphore, #tpu.memory_space<semaphore_mem>>) src(%dma_wait3A_50 : memref<2x128xi32, #tpu.memory_space<hbm>>) dst(%arg5 : memref<2x128xi32, #tpu.memory_space<vmem>>)
      tpu.yield
    }) : () -> ()
    %dma_start3A = arith.constant 0 : i32
    %dma_start3A_3 = arith.constant 0 : i32
    %dma_start3A_4 = arith.constant 0 : i32
    %dma_start3A_5 = tpu.memref_slice %arg6[%dma_start3A_3, %dma_start3A_4] : memref<256x32xf32, #tpu.memory_space<vmem>> -> memref<128x32xf32, #tpu.memory_space<vmem>>
    %dma_start3A_6 = arith.constant 0 : i32
    %dma_start3A_7 = tpu.memref_slice %arg5[%dma_start3A, %dma_start3A_6] : memref<2x128xi32, #tpu.memory_space<vmem>> -> memref<1x128xi32, #tpu.memory_space<vmem>>
    %dma_start3A_8 = tpu.memref_squeeze %dma_start3A_7 : memref<1x128xi32, #tpu.memory_space<vmem>> -> memref<128xi32, #tpu.memory_space<vmem>>
    %dma_start3A_9 = arith.constant 0 : i32
    %dma_start3A_10 = arith.constant 0 : i32
    %dma_start3A_11 = tpu.memref_slice %arg2[%dma_start3A_9, %dma_start3A_10] : memref<8192x32xf32, #tpu.memory_space<hbm>> -> memref<8192x32xf32, #tpu.memory_space<hbm>>
    tpu.enqueue_indirect_dma source(%dma_start3A_11 : memref<8192x32xf32, #tpu.memory_space<hbm>>) target(%dma_start3A_5 : memref<128x32xf32, #tpu.memory_space<vmem>>) offsets(%dma_start3A_8 : memref<128xi32, #tpu.memory_space<vmem>>) semaphore(%arg7 : memref<!tpu.dma_semaphore, #tpu.memory_space<semaphore_mem>>)
    %dma_start3A_12 = arith.constant 1 : i32
    %dma_start3A_13 = arith.constant 128 : i32
    %dma_start3A_14 = arith.constant 0 : i32
    %dma_start3A_15 = tpu.memref_slice %arg6[%dma_start3A_13, %dma_start3A_14] : memref<256x32xf32, #tpu.memory_space<vmem>> -> memref<128x32xf32, #tpu.memory_space<vmem>>
    %dma_start3A_16 = arith.constant 0 : i32
    %dma_start3A_17 = tpu.memref_slice %arg5[%dma_start3A_12, %dma_start3A_16] : memref<2x128xi32, #tpu.memory_space<vmem>> -> memref<1x128xi32, #tpu.memory_space<vmem>>
    %dma_start3A_18 = tpu.memref_squeeze %dma_start3A_17 : memref<1x128xi32, #tpu.memory_space<vmem>> -> memref<128xi32, #tpu.memory_space<vmem>>
    %dma_start3A_19 = arith.constant 0 : i32
    %dma_start3A_20 = arith.constant 0 : i32
    %dma_start3A_21 = tpu.memref_slice %arg2[%dma_start3A_19, %dma_start3A_20] : memref<8192x32xf32, #tpu.memory_space<hbm>> -> memref<8192x32xf32, #tpu.memory_space<hbm>>
    tpu.enqueue_indirect_dma source(%dma_start3A_21 : memref<8192x32xf32, #tpu.memory_space<hbm>>) target(%dma_start3A_15 : memref<128x32xf32, #tpu.memory_space<vmem>>) offsets(%dma_start3A_18 : memref<128xi32, #tpu.memory_space<vmem>>) semaphore(%arg7 : memref<!tpu.dma_semaphore, #tpu.memory_space<semaphore_mem>>)
    %dma_wait3A = arith.constant 0 : i32
    %dma_wait3A_22 = arith.constant 0 : i32
    %dma_wait3A_23 = arith.constant 0 : i32
    %dma_wait3A_24 = tpu.memref_slice %arg6[%dma_wait3A_22, %dma_wait3A_23] : memref<256x32xf32, #tpu.memory_space<vmem>> -> memref<128x32xf32, #tpu.memory_space<vmem>>
    %dma_wait3A_25 = arith.constant 0 : i32
    %dma_wait3A_26 = tpu.memref_slice %arg5[%dma_wait3A, %dma_wait3A_25] : memref<2x128xi32, #tpu.memory_space<vmem>> -> memref<1x128xi32, #tpu.memory_space<vmem>>
    %dma_wait3A_27 = tpu.memref_squeeze %dma_wait3A_26 : memref<1x128xi32, #tpu.memory_space<vmem>> -> memref<128xi32, #tpu.memory_space<vmem>>
    %dma_wait3A_28 = arith.constant 0 : i32
    %dma_wait3A_29 = arith.constant 0 : i32
    %dma_wait3A_30 = tpu.memref_slice %arg2[%dma_wait3A_28, %dma_wait3A_29] : memref<8192x32xf32, #tpu.memory_space<hbm>> -> memref<8192x32xf32, #tpu.memory_space<hbm>>
    tpu.wait_indirect_dma semaphore(%arg7 : memref<!tpu.dma_semaphore, #tpu.memory_space<semaphore_mem>>) src(%dma_wait3A_30 : memref<8192x32xf32, #tpu.memory_space<hbm>>) dst(%dma_wait3A_24 : memref<128x32xf32, #tpu.memory_space<vmem>>)
    %dma_wait3A_31 = arith.constant 1 : i32
    %dma_wait3A_32 = arith.constant 128 : i32
    %dma_wait3A_33 = arith.constant 0 : i32
    %dma_wait3A_34 = tpu.memref_slice %arg6[%dma_wait3A_32, %dma_wait3A_33] : memref<256x32xf32, #tpu.memory_space<vmem>> -> memref<128x32xf32, #tpu.memory_space<vmem>>
    %dma_wait3A_35 = arith.constant 0 : i32
    %dma_wait3A_36 = tpu.memref_slice %arg5[%dma_wait3A_31, %dma_wait3A_35] : memref<2x128xi32, #tpu.memory_space<vmem>> -> memref<1x128xi32, #tpu.memory_space<vmem>>
    %dma_wait3A_37 = tpu.memref_squeeze %dma_wait3A_36 : memref<1x128xi32, #tpu.memory_space<vmem>> -> memref<128xi32, #tpu.memory_space<vmem>>
    %dma_wait3A_38 = arith.constant 0 : i32
    %dma_wait3A_39 = arith.constant 0 : i32
    %dma_wait3A_40 = tpu.memref_slice %arg2[%dma_wait3A_38, %dma_wait3A_39] : memref<8192x32xf32, #tpu.memory_space<hbm>> -> memref<8192x32xf32, #tpu.memory_space<hbm>>
    tpu.wait_indirect_dma semaphore(%arg7 : memref<!tpu.dma_semaphore, #tpu.memory_space<semaphore_mem>>) src(%dma_wait3A_40 : memref<8192x32xf32, #tpu.memory_space<hbm>>) dst(%dma_wait3A_34 : memref<128x32xf32, #tpu.memory_space<vmem>>)
    %mul3A_41 = arith.constant 256 : i32
    %mul3A_42 = arith.muli %add3A, %mul3A_41 : i32
    "tpu.region"() ({
      %run_scoped3A = tpu.sem_alloc : memref<!tpu.dma_semaphore, #tpu.memory_space<semaphore_mem>>
      %dma_start3A_43 = arith.constant 0 : i32
      %dma_start3A_44 = tpu.memref_slice %arg4[%mul3A_42, %dma_start3A_43] : memref<8192x32xf32, #tpu.memory_space<hbm>> -> memref<256x32xf32, #tpu.memory_space<hbm>>
      %dma_start3A_45 = arith.constant 0 : i32
      %dma_start3A_46 = tpu.memref_slice %arg4[%mul3A_42, %dma_start3A_45] : memref<8192x32xf32, #tpu.memory_space<hbm>> -> memref<256x32xf32, #tpu.memory_space<hbm>>
      tpu.enqueue_dma source(%arg6 : memref<256x32xf32, #tpu.memory_space<vmem>>) target(%dma_start3A_46 : memref<256x32xf32, #tpu.memory_space<hbm>>) target_semaphore(%run_scoped3A : memref<!tpu.dma_semaphore, #tpu.memory_space<semaphore_mem>>)
      %dma_wait3A_47 = arith.constant 0 : i32
      %dma_wait3A_48 = tpu.memref_slice %arg4[%mul3A_42, %dma_wait3A_47] : memref<8192x32xf32, #tpu.memory_space<hbm>> -> memref<256x32xf32, #tpu.memory_space<hbm>>
      %dma_wait3A_49 = arith.constant 0 : i32
      %dma_wait3A_50 = tpu.memref_slice %arg4[%mul3A_42, %dma_wait3A_49] : memref<8192x32xf32, #tpu.memory_space<hbm>> -> memref<256x32xf32, #tpu.memory_space<hbm>>
      tpu.wait_dma2 semaphore(%run_scoped3A : memref<!tpu.dma_semaphore, #tpu.memory_space<semaphore_mem>>) src(%arg6 : memref<256x32xf32, #tpu.memory_space<vmem>>) dst(%dma_wait3A_50 : memref<256x32xf32, #tpu.memory_space<hbm>>)
      tpu.yield
    }) : () -> ()
    return
  }
}

module attributes {stable_mosaic.version = 14 : i64} {
  func.func @_argmin_body(%arg0: i32, %arg1: memref<1x32x1024xf32, #tpu.memory_space<vmem>>, %arg2: memref<8192x32xf32, #tpu.memory_space<vmem>>, %arg3: memref<8192x1xf32, #tpu.memory_space<vmem>>, %arg4: memref<1x1x1024xi32, #tpu.memory_space<vmem>>, %arg5: memref<1x1x1024xf32, #tpu.memory_space<vmem>>) attributes {dimension_semantics = [#tpu.dimension_semantics<arbitrary>], iteration_bounds = array<i64: 8>, scalar_prefetch = 0 : i64, scratch_operands = 0 : i64, tpu.core_type = #tpu.core_type<tc>, window_params = [{transform_indices = @transform_0, window_bounds = array<i64: 1, 32, 1024>}, {pipeline_mode = #tpu.pipeline_mode<synchronous>, transform_indices = @transform_1, window_bounds = array<i64: 8192, 32>}, {pipeline_mode = #tpu.pipeline_mode<synchronous>, transform_indices = @transform_2, window_bounds = array<i64: 8192, 1>}, {transform_indices = @transform_3, window_bounds = array<i64: 1, 1, 1024>}, {transform_indices = @transform_4, window_bounds = array<i64: 1, 1, 1024>}]} {
    %get3A = arith.constant 0 : index
    %get3A_0 = arith.constant 0 : index
    %get3A_1 = arith.constant 0 : index
    %get3A_2 = vector.load %arg1[%get3A, %get3A_0, %get3A_1] : memref<1x32x1024xf32, #tpu.memory_space<vmem>>, vector<1x32x1024xf32>
    %get3A_3 = vector.shape_cast %get3A_2 : vector<1x32x1024xf32> to vector<32x1024xf32>
    %mul3A = arith.constant -2.000000e+00 : f32
    %mul3A_4 = vector.broadcast %mul3A : f32 to vector<32x1024xf32>
    %mul3A_5 = arith.mulf %mul3A_4, %get3A_3 : vector<32x1024xf32>
    %mul3A_6 = arith.mulf %mul3A_5, %mul3A_5 : vector<32x1024xf32>
    %reduce_sum3A = arith.constant dense<0.000000e+00> : vector<1024xf32>
    %reduce_sum3A_7 = vector.multi_reduction <add>, %mul3A_6, %reduce_sum3A [0] : vector<32x1024xf32> to vector<1024xf32>
    %broadcast_in_dim3A = vector.shape_cast %reduce_sum3A_7 : vector<1024xf32> to vector<1x1024xf32>
    %mul3A_8 = arith.constant 2.500000e-01 : f32
    %mul3A_9 = vector.broadcast %mul3A_8 : f32 to vector<1x1024xf32>
    %mul3A_10 = arith.mulf %mul3A_9, %broadcast_in_dim3A : vector<1x1024xf32>
    %broadcast_in_dim3A_11 = arith.constant 0x7F800000 : f32
    %broadcast_in_dim3A_12 = vector.broadcast %broadcast_in_dim3A_11 : f32 to vector<1x1024xf32>
    %broadcast_in_dim3A_13 = arith.constant 0.000000e+00 : f32
    %broadcast_in_dim3A_14 = vector.broadcast %broadcast_in_dim3A_13 : f32 to vector<1x1024xf32>
    %iota3A = tpu.iota {dimensions = array<i32: 0>} : vector<512x1024xi32>
    %convert_element_type3A = arith.sitofp %iota3A : vector<512x1024xi32> to vector<512x1024xf32>
    %get3A_15 = arith.constant 0 : index
    %get3A_16 = arith.constant 0 : index
    %get3A_17 = vector.load %arg2[%get3A_15, %get3A_16] : memref<8192x32xf32, #tpu.memory_space<vmem>>, vector<512x32xf32>
    %dot_general3A = arith.constant dense<0.000000e+00> : vector<512x1024xf32>
    %dot_general3A_18 = tpu.matmul %get3A_17, %mul3A_5, %dot_general3A {dimension_numbers = #tpu.dot_dimension_numbers<[1], [0], [0], [1], [0, 0, 1, 1], [], []>, transpose_lhs_hint = false} : vector<512x32xf32>, vector<32x1024xf32>, vector<512x1024xf32> -> vector<512x1024xf32>
    %get3A_19 = arith.constant 0 : index
    %get3A_20 = arith.constant 0 : index
    %get3A_21 = vector.load %arg3[%get3A_19, %get3A_20] : memref<8192x1xf32, #tpu.memory_space<vmem>>, vector<512x1xf32>
    %add3A = vector.broadcast %mul3A_10 : vector<1x1024xf32> to vector<512x1024xf32>
    %add3A_22 = arith.addf %add3A, %dot_general3A_18 : vector<512x1024xf32>
    %add3A_23 = vector.broadcast %get3A_21 : vector<512x1xf32> to vector<512x1024xf32>
    %add3A_24 = arith.addf %add3A_22, %add3A_23 : vector<512x1024xf32>
    %reduce_min3A = arith.constant dense<0x7F800000> : vector<1024xf32>
    %reduce_min3A_25 = vector.multi_reduction <minimumf>, %add3A_24, %reduce_min3A [0] : vector<512x1024xf32> to vector<1024xf32>
    %broadcast_in_dim3A_26 = vector.shape_cast %reduce_min3A_25 : vector<1024xf32> to vector<1x1024xf32>
    %eq3A = vector.broadcast %broadcast_in_dim3A_26 : vector<1x1024xf32> to vector<512x1024xf32>
    %eq3A_27 = arith.cmpf oeq, %add3A_24, %eq3A : vector<512x1024xf32>
    %jit3A = arith.constant 3.000000e+38 : f32
    %broadcast_in_dim3A_28 = vector.broadcast %jit3A : f32 to vector<512x1024xf32>
    %select_n3A = arith.select %eq3A_27, %convert_element_type3A, %broadcast_in_dim3A_28 : vector<512x1024xi1>, vector<512x1024xf32>
    %reduce_min3A_29 = arith.constant dense<0x7F800000> : vector<1024xf32>
    %reduce_min3A_30 = vector.multi_reduction <minimumf>, %select_n3A, %reduce_min3A_29 [0] : vector<512x1024xf32> to vector<1024xf32>
    %broadcast_in_dim3A_31 = vector.shape_cast %reduce_min3A_30 : vector<1024xf32> to vector<1x1024xf32>
    %lt3A = arith.cmpf olt, %broadcast_in_dim3A_26, %broadcast_in_dim3A_12 : vector<1x1024xf32>
    %add3A_32 = arith.constant 0.000000e+00 : f32
    %add3A_33 = vector.broadcast %add3A_32 : f32 to vector<1x1024xf32>
    %add3A_34 = arith.addf %broadcast_in_dim3A_31, %add3A_33 : vector<1x1024xf32>
    %select_n3A_35 = arith.select %lt3A, %add3A_34, %broadcast_in_dim3A_14 : vector<1x1024xi1>, vector<1x1024xf32>
    %select_n3A_36 = arith.select %lt3A, %broadcast_in_dim3A_26, %broadcast_in_dim3A_12 : vector<1x1024xi1>, vector<1x1024xf32>
    %get3A_37 = arith.constant 512 : index
    %get3A_38 = arith.constant 0 : index
    %get3A_39 = vector.load %arg2[%get3A_37, %get3A_38] : memref<8192x32xf32, #tpu.memory_space<vmem>>, vector<512x32xf32>
    %dot_general3A_40 = arith.constant dense<0.000000e+00> : vector<512x1024xf32>
    %dot_general3A_41 = tpu.matmul %get3A_39, %mul3A_5, %dot_general3A_40 {dimension_numbers = #tpu.dot_dimension_numbers<[1], [0], [0], [1], [0, 0, 1, 1], [], []>, transpose_lhs_hint = false} : vector<512x32xf32>, vector<32x1024xf32>, vector<512x1024xf32> -> vector<512x1024xf32>
    %get3A_42 = arith.constant 512 : index
    %get3A_43 = arith.constant 0 : index
    %get3A_44 = vector.load %arg3[%get3A_42, %get3A_43] : memref<8192x1xf32, #tpu.memory_space<vmem>>, vector<512x1xf32>
    %add3A_45 = vector.broadcast %mul3A_10 : vector<1x1024xf32> to vector<512x1024xf32>
    %add3A_46 = arith.addf %add3A_45, %dot_general3A_41 : vector<512x1024xf32>
    %add3A_47 = vector.broadcast %get3A_44 : vector<512x1xf32> to vector<512x1024xf32>
    %add3A_48 = arith.addf %add3A_46, %add3A_47 : vector<512x1024xf32>
    %reduce_min3A_49 = arith.constant dense<0x7F800000> : vector<1024xf32>
    %reduce_min3A_50 = vector.multi_reduction <minimumf>, %add3A_48, %reduce_min3A_49 [0] : vector<512x1024xf32> to vector<1024xf32>
    %broadcast_in_dim3A_51 = vector.shape_cast %reduce_min3A_50 : vector<1024xf32> to vector<1x1024xf32>
    %eq3A_52 = vector.broadcast %broadcast_in_dim3A_51 : vector<1x1024xf32> to vector<512x1024xf32>
    %eq3A_53 = arith.cmpf oeq, %add3A_48, %eq3A_52 : vector<512x1024xf32>
    %jit3A_54 = arith.constant 3.000000e+38 : f32
    %broadcast_in_dim3A_55 = vector.broadcast %jit3A_54 : f32 to vector<512x1024xf32>
    %select_n3A_56 = arith.select %eq3A_53, %convert_element_type3A, %broadcast_in_dim3A_55 : vector<512x1024xi1>, vector<512x1024xf32>
    %reduce_min3A_57 = arith.constant dense<0x7F800000> : vector<1024xf32>
    %reduce_min3A_58 = vector.multi_reduction <minimumf>, %select_n3A_56, %reduce_min3A_57 [0] : vector<512x1024xf32> to vector<1024xf32>
    %broadcast_in_dim3A_59 = vector.shape_cast %reduce_min3A_58 : vector<1024xf32> to vector<1x1024xf32>
    %lt3A_60 = arith.cmpf olt, %broadcast_in_dim3A_51, %select_n3A_36 : vector<1x1024xf32>
    %add3A_61 = arith.constant 5.120000e+02 : f32
    %add3A_62 = vector.broadcast %add3A_61 : f32 to vector<1x1024xf32>
    %add3A_63 = arith.addf %broadcast_in_dim3A_59, %add3A_62 : vector<1x1024xf32>
    %select_n3A_64 = arith.select %lt3A_60, %add3A_63, %select_n3A_35 : vector<1x1024xi1>, vector<1x1024xf32>
    %select_n3A_65 = arith.select %lt3A_60, %broadcast_in_dim3A_51, %select_n3A_36 : vector<1x1024xi1>, vector<1x1024xf32>
    %get3A_66 = arith.constant 1024 : index
    %get3A_67 = arith.constant 0 : index
    %get3A_68 = vector.load %arg2[%get3A_66, %get3A_67] : memref<8192x32xf32, #tpu.memory_space<vmem>>, vector<512x32xf32>
    %dot_general3A_69 = arith.constant dense<0.000000e+00> : vector<512x1024xf32>
    %dot_general3A_70 = tpu.matmul %get3A_68, %mul3A_5, %dot_general3A_69 {dimension_numbers = #tpu.dot_dimension_numbers<[1], [0], [0], [1], [0, 0, 1, 1], [], []>, transpose_lhs_hint = false} : vector<512x32xf32>, vector<32x1024xf32>, vector<512x1024xf32> -> vector<512x1024xf32>
    %get3A_71 = arith.constant 1024 : index
    %get3A_72 = arith.constant 0 : index
    %get3A_73 = vector.load %arg3[%get3A_71, %get3A_72] : memref<8192x1xf32, #tpu.memory_space<vmem>>, vector<512x1xf32>
    %add3A_74 = vector.broadcast %mul3A_10 : vector<1x1024xf32> to vector<512x1024xf32>
    %add3A_75 = arith.addf %add3A_74, %dot_general3A_70 : vector<512x1024xf32>
    %add3A_76 = vector.broadcast %get3A_73 : vector<512x1xf32> to vector<512x1024xf32>
    %add3A_77 = arith.addf %add3A_75, %add3A_76 : vector<512x1024xf32>
    %reduce_min3A_78 = arith.constant dense<0x7F800000> : vector<1024xf32>
    %reduce_min3A_79 = vector.multi_reduction <minimumf>, %add3A_77, %reduce_min3A_78 [0] : vector<512x1024xf32> to vector<1024xf32>
    %broadcast_in_dim3A_80 = vector.shape_cast %reduce_min3A_79 : vector<1024xf32> to vector<1x1024xf32>
    %eq3A_81 = vector.broadcast %broadcast_in_dim3A_80 : vector<1x1024xf32> to vector<512x1024xf32>
    %eq3A_82 = arith.cmpf oeq, %add3A_77, %eq3A_81 : vector<512x1024xf32>
    %jit3A_83 = arith.constant 3.000000e+38 : f32
    %broadcast_in_dim3A_84 = vector.broadcast %jit3A_83 : f32 to vector<512x1024xf32>
    %select_n3A_85 = arith.select %eq3A_82, %convert_element_type3A, %broadcast_in_dim3A_84 : vector<512x1024xi1>, vector<512x1024xf32>
    %reduce_min3A_86 = arith.constant dense<0x7F800000> : vector<1024xf32>
    %reduce_min3A_87 = vector.multi_reduction <minimumf>, %select_n3A_85, %reduce_min3A_86 [0] : vector<512x1024xf32> to vector<1024xf32>
    %broadcast_in_dim3A_88 = vector.shape_cast %reduce_min3A_87 : vector<1024xf32> to vector<1x1024xf32>
    %lt3A_89 = arith.cmpf olt, %broadcast_in_dim3A_80, %select_n3A_65 : vector<1x1024xf32>
    %add3A_90 = arith.constant 1.024000e+03 : f32
    %add3A_91 = vector.broadcast %add3A_90 : f32 to vector<1x1024xf32>
    %add3A_92 = arith.addf %broadcast_in_dim3A_88, %add3A_91 : vector<1x1024xf32>
    %select_n3A_93 = arith.select %lt3A_89, %add3A_92, %select_n3A_64 : vector<1x1024xi1>, vector<1x1024xf32>
    %select_n3A_94 = arith.select %lt3A_89, %broadcast_in_dim3A_80, %select_n3A_65 : vector<1x1024xi1>, vector<1x1024xf32>
    %get3A_95 = arith.constant 1536 : index
    %get3A_96 = arith.constant 0 : index
    %get3A_97 = vector.load %arg2[%get3A_95, %get3A_96] : memref<8192x32xf32, #tpu.memory_space<vmem>>, vector<512x32xf32>
    %dot_general3A_98 = arith.constant dense<0.000000e+00> : vector<512x1024xf32>
    %dot_general3A_99 = tpu.matmul %get3A_97, %mul3A_5, %dot_general3A_98 {dimension_numbers = #tpu.dot_dimension_numbers<[1], [0], [0], [1], [0, 0, 1, 1], [], []>, transpose_lhs_hint = false} : vector<512x32xf32>, vector<32x1024xf32>, vector<512x1024xf32> -> vector<512x1024xf32>
    %get3A_100 = arith.constant 1536 : index
    %get3A_101 = arith.constant 0 : index
    %get3A_102 = vector.load %arg3[%get3A_100, %get3A_101] : memref<8192x1xf32, #tpu.memory_space<vmem>>, vector<512x1xf32>
    %add3A_103 = vector.broadcast %mul3A_10 : vector<1x1024xf32> to vector<512x1024xf32>
    %add3A_104 = arith.addf %add3A_103, %dot_general3A_99 : vector<512x1024xf32>
    %add3A_105 = vector.broadcast %get3A_102 : vector<512x1xf32> to vector<512x1024xf32>
    %add3A_106 = arith.addf %add3A_104, %add3A_105 : vector<512x1024xf32>
    %reduce_min3A_107 = arith.constant dense<0x7F800000> : vector<1024xf32>
    %reduce_min3A_108 = vector.multi_reduction <minimumf>, %add3A_106, %reduce_min3A_107 [0] : vector<512x1024xf32> to vector<1024xf32>
    %broadcast_in_dim3A_109 = vector.shape_cast %reduce_min3A_108 : vector<1024xf32> to vector<1x1024xf32>
    %eq3A_110 = vector.broadcast %broadcast_in_dim3A_109 : vector<1x1024xf32> to vector<512x1024xf32>
    %eq3A_111 = arith.cmpf oeq, %add3A_106, %eq3A_110 : vector<512x1024xf32>
    %jit3A_112 = arith.constant 3.000000e+38 : f32
    %broadcast_in_dim3A_113 = vector.broadcast %jit3A_112 : f32 to vector<512x1024xf32>
    %select_n3A_114 = arith.select %eq3A_111, %convert_element_type3A, %broadcast_in_dim3A_113 : vector<512x1024xi1>, vector<512x1024xf32>
    %reduce_min3A_115 = arith.constant dense<0x7F800000> : vector<1024xf32>
    %reduce_min3A_116 = vector.multi_reduction <minimumf>, %select_n3A_114, %reduce_min3A_115 [0] : vector<512x1024xf32> to vector<1024xf32>
    %broadcast_in_dim3A_117 = vector.shape_cast %reduce_min3A_116 : vector<1024xf32> to vector<1x1024xf32>
    %lt3A_118 = arith.cmpf olt, %broadcast_in_dim3A_109, %select_n3A_94 : vector<1x1024xf32>
    %add3A_119 = arith.constant 1.536000e+03 : f32
    %add3A_120 = vector.broadcast %add3A_119 : f32 to vector<1x1024xf32>
    %add3A_121 = arith.addf %broadcast_in_dim3A_117, %add3A_120 : vector<1x1024xf32>
    %select_n3A_122 = arith.select %lt3A_118, %add3A_121, %select_n3A_93 : vector<1x1024xi1>, vector<1x1024xf32>
    %select_n3A_123 = arith.select %lt3A_118, %broadcast_in_dim3A_109, %select_n3A_94 : vector<1x1024xi1>, vector<1x1024xf32>
    %get3A_124 = arith.constant 2048 : index
    %get3A_125 = arith.constant 0 : index
    %get3A_126 = vector.load %arg2[%get3A_124, %get3A_125] : memref<8192x32xf32, #tpu.memory_space<vmem>>, vector<512x32xf32>
    %dot_general3A_127 = arith.constant dense<0.000000e+00> : vector<512x1024xf32>
    %dot_general3A_128 = tpu.matmul %get3A_126, %mul3A_5, %dot_general3A_127 {dimension_numbers = #tpu.dot_dimension_numbers<[1], [0], [0], [1], [0, 0, 1, 1], [], []>, transpose_lhs_hint = false} : vector<512x32xf32>, vector<32x1024xf32>, vector<512x1024xf32> -> vector<512x1024xf32>
    %get3A_129 = arith.constant 2048 : index
    %get3A_130 = arith.constant 0 : index
    %get3A_131 = vector.load %arg3[%get3A_129, %get3A_130] : memref<8192x1xf32, #tpu.memory_space<vmem>>, vector<512x1xf32>
    %add3A_132 = vector.broadcast %mul3A_10 : vector<1x1024xf32> to vector<512x1024xf32>
    %add3A_133 = arith.addf %add3A_132, %dot_general3A_128 : vector<512x1024xf32>
    %add3A_134 = vector.broadcast %get3A_131 : vector<512x1xf32> to vector<512x1024xf32>
    %add3A_135 = arith.addf %add3A_133, %add3A_134 : vector<512x1024xf32>
    %reduce_min3A_136 = arith.constant dense<0x7F800000> : vector<1024xf32>
    %reduce_min3A_137 = vector.multi_reduction <minimumf>, %add3A_135, %reduce_min3A_136 [0] : vector<512x1024xf32> to vector<1024xf32>
    %broadcast_in_dim3A_138 = vector.shape_cast %reduce_min3A_137 : vector<1024xf32> to vector<1x1024xf32>
    %eq3A_139 = vector.broadcast %broadcast_in_dim3A_138 : vector<1x1024xf32> to vector<512x1024xf32>
    %eq3A_140 = arith.cmpf oeq, %add3A_135, %eq3A_139 : vector<512x1024xf32>
    %jit3A_141 = arith.constant 3.000000e+38 : f32
    %broadcast_in_dim3A_142 = vector.broadcast %jit3A_141 : f32 to vector<512x1024xf32>
    %select_n3A_143 = arith.select %eq3A_140, %convert_element_type3A, %broadcast_in_dim3A_142 : vector<512x1024xi1>, vector<512x1024xf32>
    %reduce_min3A_144 = arith.constant dense<0x7F800000> : vector<1024xf32>
    %reduce_min3A_145 = vector.multi_reduction <minimumf>, %select_n3A_143, %reduce_min3A_144 [0] : vector<512x1024xf32> to vector<1024xf32>
    %broadcast_in_dim3A_146 = vector.shape_cast %reduce_min3A_145 : vector<1024xf32> to vector<1x1024xf32>
    %lt3A_147 = arith.cmpf olt, %broadcast_in_dim3A_138, %select_n3A_123 : vector<1x1024xf32>
    %add3A_148 = arith.constant 2.048000e+03 : f32
    %add3A_149 = vector.broadcast %add3A_148 : f32 to vector<1x1024xf32>
    %add3A_150 = arith.addf %broadcast_in_dim3A_146, %add3A_149 : vector<1x1024xf32>
    %select_n3A_151 = arith.select %lt3A_147, %add3A_150, %select_n3A_122 : vector<1x1024xi1>, vector<1x1024xf32>
    %select_n3A_152 = arith.select %lt3A_147, %broadcast_in_dim3A_138, %select_n3A_123 : vector<1x1024xi1>, vector<1x1024xf32>
    %get3A_153 = arith.constant 2560 : index
    %get3A_154 = arith.constant 0 : index
    %get3A_155 = vector.load %arg2[%get3A_153, %get3A_154] : memref<8192x32xf32, #tpu.memory_space<vmem>>, vector<512x32xf32>
    %dot_general3A_156 = arith.constant dense<0.000000e+00> : vector<512x1024xf32>
    %dot_general3A_157 = tpu.matmul %get3A_155, %mul3A_5, %dot_general3A_156 {dimension_numbers = #tpu.dot_dimension_numbers<[1], [0], [0], [1], [0, 0, 1, 1], [], []>, transpose_lhs_hint = false} : vector<512x32xf32>, vector<32x1024xf32>, vector<512x1024xf32> -> vector<512x1024xf32>
    %get3A_158 = arith.constant 2560 : index
    %get3A_159 = arith.constant 0 : index
    %get3A_160 = vector.load %arg3[%get3A_158, %get3A_159] : memref<8192x1xf32, #tpu.memory_space<vmem>>, vector<512x1xf32>
    %add3A_161 = vector.broadcast %mul3A_10 : vector<1x1024xf32> to vector<512x1024xf32>
    %add3A_162 = arith.addf %add3A_161, %dot_general3A_157 : vector<512x1024xf32>
    %add3A_163 = vector.broadcast %get3A_160 : vector<512x1xf32> to vector<512x1024xf32>
    %add3A_164 = arith.addf %add3A_162, %add3A_163 : vector<512x1024xf32>
    %reduce_min3A_165 = arith.constant dense<0x7F800000> : vector<1024xf32>
    %reduce_min3A_166 = vector.multi_reduction <minimumf>, %add3A_164, %reduce_min3A_165 [0] : vector<512x1024xf32> to vector<1024xf32>
    %broadcast_in_dim3A_167 = vector.shape_cast %reduce_min3A_166 : vector<1024xf32> to vector<1x1024xf32>
    %eq3A_168 = vector.broadcast %broadcast_in_dim3A_167 : vector<1x1024xf32> to vector<512x1024xf32>
    %eq3A_169 = arith.cmpf oeq, %add3A_164, %eq3A_168 : vector<512x1024xf32>
    %jit3A_170 = arith.constant 3.000000e+38 : f32
    %broadcast_in_dim3A_171 = vector.broadcast %jit3A_170 : f32 to vector<512x1024xf32>
    %select_n3A_172 = arith.select %eq3A_169, %convert_element_type3A, %broadcast_in_dim3A_171 : vector<512x1024xi1>, vector<512x1024xf32>
    %reduce_min3A_173 = arith.constant dense<0x7F800000> : vector<1024xf32>
    %reduce_min3A_174 = vector.multi_reduction <minimumf>, %select_n3A_172, %reduce_min3A_173 [0] : vector<512x1024xf32> to vector<1024xf32>
    %broadcast_in_dim3A_175 = vector.shape_cast %reduce_min3A_174 : vector<1024xf32> to vector<1x1024xf32>
    %lt3A_176 = arith.cmpf olt, %broadcast_in_dim3A_167, %select_n3A_152 : vector<1x1024xf32>
    %add3A_177 = arith.constant 2.560000e+03 : f32
    %add3A_178 = vector.broadcast %add3A_177 : f32 to vector<1x1024xf32>
    %add3A_179 = arith.addf %broadcast_in_dim3A_175, %add3A_178 : vector<1x1024xf32>
    %select_n3A_180 = arith.select %lt3A_176, %add3A_179, %select_n3A_151 : vector<1x1024xi1>, vector<1x1024xf32>
    %select_n3A_181 = arith.select %lt3A_176, %broadcast_in_dim3A_167, %select_n3A_152 : vector<1x1024xi1>, vector<1x1024xf32>
    %get3A_182 = arith.constant 3072 : index
    %get3A_183 = arith.constant 0 : index
    %get3A_184 = vector.load %arg2[%get3A_182, %get3A_183] : memref<8192x32xf32, #tpu.memory_space<vmem>>, vector<512x32xf32>
    %dot_general3A_185 = arith.constant dense<0.000000e+00> : vector<512x1024xf32>
    %dot_general3A_186 = tpu.matmul %get3A_184, %mul3A_5, %dot_general3A_185 {dimension_numbers = #tpu.dot_dimension_numbers<[1], [0], [0], [1], [0, 0, 1, 1], [], []>, transpose_lhs_hint = false} : vector<512x32xf32>, vector<32x1024xf32>, vector<512x1024xf32> -> vector<512x1024xf32>
    %get3A_187 = arith.constant 3072 : index
    %get3A_188 = arith.constant 0 : index
    %get3A_189 = vector.load %arg3[%get3A_187, %get3A_188] : memref<8192x1xf32, #tpu.memory_space<vmem>>, vector<512x1xf32>
    %add3A_190 = vector.broadcast %mul3A_10 : vector<1x1024xf32> to vector<512x1024xf32>
    %add3A_191 = arith.addf %add3A_190, %dot_general3A_186 : vector<512x1024xf32>
    %add3A_192 = vector.broadcast %get3A_189 : vector<512x1xf32> to vector<512x1024xf32>
    %add3A_193 = arith.addf %add3A_191, %add3A_192 : vector<512x1024xf32>
    %reduce_min3A_194 = arith.constant dense<0x7F800000> : vector<1024xf32>
    %reduce_min3A_195 = vector.multi_reduction <minimumf>, %add3A_193, %reduce_min3A_194 [0] : vector<512x1024xf32> to vector<1024xf32>
    %broadcast_in_dim3A_196 = vector.shape_cast %reduce_min3A_195 : vector<1024xf32> to vector<1x1024xf32>
    %eq3A_197 = vector.broadcast %broadcast_in_dim3A_196 : vector<1x1024xf32> to vector<512x1024xf32>
    %eq3A_198 = arith.cmpf oeq, %add3A_193, %eq3A_197 : vector<512x1024xf32>
    %jit3A_199 = arith.constant 3.000000e+38 : f32
    %broadcast_in_dim3A_200 = vector.broadcast %jit3A_199 : f32 to vector<512x1024xf32>
    %select_n3A_201 = arith.select %eq3A_198, %convert_element_type3A, %broadcast_in_dim3A_200 : vector<512x1024xi1>, vector<512x1024xf32>
    %reduce_min3A_202 = arith.constant dense<0x7F800000> : vector<1024xf32>
    %reduce_min3A_203 = vector.multi_reduction <minimumf>, %select_n3A_201, %reduce_min3A_202 [0] : vector<512x1024xf32> to vector<1024xf32>
    %broadcast_in_dim3A_204 = vector.shape_cast %reduce_min3A_203 : vector<1024xf32> to vector<1x1024xf32>
    %lt3A_205 = arith.cmpf olt, %broadcast_in_dim3A_196, %select_n3A_181 : vector<1x1024xf32>
    %add3A_206 = arith.constant 3.072000e+03 : f32
    %add3A_207 = vector.broadcast %add3A_206 : f32 to vector<1x1024xf32>
    %add3A_208 = arith.addf %broadcast_in_dim3A_204, %add3A_207 : vector<1x1024xf32>
    %select_n3A_209 = arith.select %lt3A_205, %add3A_208, %select_n3A_180 : vector<1x1024xi1>, vector<1x1024xf32>
    %select_n3A_210 = arith.select %lt3A_205, %broadcast_in_dim3A_196, %select_n3A_181 : vector<1x1024xi1>, vector<1x1024xf32>
    %get3A_211 = arith.constant 3584 : index
    %get3A_212 = arith.constant 0 : index
    %get3A_213 = vector.load %arg2[%get3A_211, %get3A_212] : memref<8192x32xf32, #tpu.memory_space<vmem>>, vector<512x32xf32>
    %dot_general3A_214 = arith.constant dense<0.000000e+00> : vector<512x1024xf32>
    %dot_general3A_215 = tpu.matmul %get3A_213, %mul3A_5, %dot_general3A_214 {dimension_numbers = #tpu.dot_dimension_numbers<[1], [0], [0], [1], [0, 0, 1, 1], [], []>, transpose_lhs_hint = false} : vector<512x32xf32>, vector<32x1024xf32>, vector<512x1024xf32> -> vector<512x1024xf32>
    %get3A_216 = arith.constant 3584 : index
    %get3A_217 = arith.constant 0 : index
    %get3A_218 = vector.load %arg3[%get3A_216, %get3A_217] : memref<8192x1xf32, #tpu.memory_space<vmem>>, vector<512x1xf32>
    %add3A_219 = vector.broadcast %mul3A_10 : vector<1x1024xf32> to vector<512x1024xf32>
    %add3A_220 = arith.addf %add3A_219, %dot_general3A_215 : vector<512x1024xf32>
    %add3A_221 = vector.broadcast %get3A_218 : vector<512x1xf32> to vector<512x1024xf32>
    %add3A_222 = arith.addf %add3A_220, %add3A_221 : vector<512x1024xf32>
    %reduce_min3A_223 = arith.constant dense<0x7F800000> : vector<1024xf32>
    %reduce_min3A_224 = vector.multi_reduction <minimumf>, %add3A_222, %reduce_min3A_223 [0] : vector<512x1024xf32> to vector<1024xf32>
    %broadcast_in_dim3A_225 = vector.shape_cast %reduce_min3A_224 : vector<1024xf32> to vector<1x1024xf32>
    %eq3A_226 = vector.broadcast %broadcast_in_dim3A_225 : vector<1x1024xf32> to vector<512x1024xf32>
    %eq3A_227 = arith.cmpf oeq, %add3A_222, %eq3A_226 : vector<512x1024xf32>
    %jit3A_228 = arith.constant 3.000000e+38 : f32
    %broadcast_in_dim3A_229 = vector.broadcast %jit3A_228 : f32 to vector<512x1024xf32>
    %select_n3A_230 = arith.select %eq3A_227, %convert_element_type3A, %broadcast_in_dim3A_229 : vector<512x1024xi1>, vector<512x1024xf32>
    %reduce_min3A_231 = arith.constant dense<0x7F800000> : vector<1024xf32>
    %reduce_min3A_232 = vector.multi_reduction <minimumf>, %select_n3A_230, %reduce_min3A_231 [0] : vector<512x1024xf32> to vector<1024xf32>
    %broadcast_in_dim3A_233 = vector.shape_cast %reduce_min3A_232 : vector<1024xf32> to vector<1x1024xf32>
    %lt3A_234 = arith.cmpf olt, %broadcast_in_dim3A_225, %select_n3A_210 : vector<1x1024xf32>
    %add3A_235 = arith.constant 3.584000e+03 : f32
    %add3A_236 = vector.broadcast %add3A_235 : f32 to vector<1x1024xf32>
    %add3A_237 = arith.addf %broadcast_in_dim3A_233, %add3A_236 : vector<1x1024xf32>
    %select_n3A_238 = arith.select %lt3A_234, %add3A_237, %select_n3A_209 : vector<1x1024xi1>, vector<1x1024xf32>
    %select_n3A_239 = arith.select %lt3A_234, %broadcast_in_dim3A_225, %select_n3A_210 : vector<1x1024xi1>, vector<1x1024xf32>
    %get3A_240 = arith.constant 4096 : index
    %get3A_241 = arith.constant 0 : index
    %get3A_242 = vector.load %arg2[%get3A_240, %get3A_241] : memref<8192x32xf32, #tpu.memory_space<vmem>>, vector<512x32xf32>
    %dot_general3A_243 = arith.constant dense<0.000000e+00> : vector<512x1024xf32>
    %dot_general3A_244 = tpu.matmul %get3A_242, %mul3A_5, %dot_general3A_243 {dimension_numbers = #tpu.dot_dimension_numbers<[1], [0], [0], [1], [0, 0, 1, 1], [], []>, transpose_lhs_hint = false} : vector<512x32xf32>, vector<32x1024xf32>, vector<512x1024xf32> -> vector<512x1024xf32>
    %get3A_245 = arith.constant 4096 : index
    %get3A_246 = arith.constant 0 : index
    %get3A_247 = vector.load %arg3[%get3A_245, %get3A_246] : memref<8192x1xf32, #tpu.memory_space<vmem>>, vector<512x1xf32>
    %add3A_248 = vector.broadcast %mul3A_10 : vector<1x1024xf32> to vector<512x1024xf32>
    %add3A_249 = arith.addf %add3A_248, %dot_general3A_244 : vector<512x1024xf32>
    %add3A_250 = vector.broadcast %get3A_247 : vector<512x1xf32> to vector<512x1024xf32>
    %add3A_251 = arith.addf %add3A_249, %add3A_250 : vector<512x1024xf32>
    %reduce_min3A_252 = arith.constant dense<0x7F800000> : vector<1024xf32>
    %reduce_min3A_253 = vector.multi_reduction <minimumf>, %add3A_251, %reduce_min3A_252 [0] : vector<512x1024xf32> to vector<1024xf32>
    %broadcast_in_dim3A_254 = vector.shape_cast %reduce_min3A_253 : vector<1024xf32> to vector<1x1024xf32>
    %eq3A_255 = vector.broadcast %broadcast_in_dim3A_254 : vector<1x1024xf32> to vector<512x1024xf32>
    %eq3A_256 = arith.cmpf oeq, %add3A_251, %eq3A_255 : vector<512x1024xf32>
    %jit3A_257 = arith.constant 3.000000e+38 : f32
    %broadcast_in_dim3A_258 = vector.broadcast %jit3A_257 : f32 to vector<512x1024xf32>
    %select_n3A_259 = arith.select %eq3A_256, %convert_element_type3A, %broadcast_in_dim3A_258 : vector<512x1024xi1>, vector<512x1024xf32>
    %reduce_min3A_260 = arith.constant dense<0x7F800000> : vector<1024xf32>
    %reduce_min3A_261 = vector.multi_reduction <minimumf>, %select_n3A_259, %reduce_min3A_260 [0] : vector<512x1024xf32> to vector<1024xf32>
    %broadcast_in_dim3A_262 = vector.shape_cast %reduce_min3A_261 : vector<1024xf32> to vector<1x1024xf32>
    %lt3A_263 = arith.cmpf olt, %broadcast_in_dim3A_254, %select_n3A_239 : vector<1x1024xf32>
    %add3A_264 = arith.constant 4.096000e+03 : f32
    %add3A_265 = vector.broadcast %add3A_264 : f32 to vector<1x1024xf32>
    %add3A_266 = arith.addf %broadcast_in_dim3A_262, %add3A_265 : vector<1x1024xf32>
    %select_n3A_267 = arith.select %lt3A_263, %add3A_266, %select_n3A_238 : vector<1x1024xi1>, vector<1x1024xf32>
    %select_n3A_268 = arith.select %lt3A_263, %broadcast_in_dim3A_254, %select_n3A_239 : vector<1x1024xi1>, vector<1x1024xf32>
    %get3A_269 = arith.constant 4608 : index
    %get3A_270 = arith.constant 0 : index
    %get3A_271 = vector.load %arg2[%get3A_269, %get3A_270] : memref<8192x32xf32, #tpu.memory_space<vmem>>, vector<512x32xf32>
    %dot_general3A_272 = arith.constant dense<0.000000e+00> : vector<512x1024xf32>
    %dot_general3A_273 = tpu.matmul %get3A_271, %mul3A_5, %dot_general3A_272 {dimension_numbers = #tpu.dot_dimension_numbers<[1], [0], [0], [1], [0, 0, 1, 1], [], []>, transpose_lhs_hint = false} : vector<512x32xf32>, vector<32x1024xf32>, vector<512x1024xf32> -> vector<512x1024xf32>
    %get3A_274 = arith.constant 4608 : index
    %get3A_275 = arith.constant 0 : index
    %get3A_276 = vector.load %arg3[%get3A_274, %get3A_275] : memref<8192x1xf32, #tpu.memory_space<vmem>>, vector<512x1xf32>
    %add3A_277 = vector.broadcast %mul3A_10 : vector<1x1024xf32> to vector<512x1024xf32>
    %add3A_278 = arith.addf %add3A_277, %dot_general3A_273 : vector<512x1024xf32>
    %add3A_279 = vector.broadcast %get3A_276 : vector<512x1xf32> to vector<512x1024xf32>
    %add3A_280 = arith.addf %add3A_278, %add3A_279 : vector<512x1024xf32>
    %reduce_min3A_281 = arith.constant dense<0x7F800000> : vector<1024xf32>
    %reduce_min3A_282 = vector.multi_reduction <minimumf>, %add3A_280, %reduce_min3A_281 [0] : vector<512x1024xf32> to vector<1024xf32>
    %broadcast_in_dim3A_283 = vector.shape_cast %reduce_min3A_282 : vector<1024xf32> to vector<1x1024xf32>
    %eq3A_284 = vector.broadcast %broadcast_in_dim3A_283 : vector<1x1024xf32> to vector<512x1024xf32>
    %eq3A_285 = arith.cmpf oeq, %add3A_280, %eq3A_284 : vector<512x1024xf32>
    %jit3A_286 = arith.constant 3.000000e+38 : f32
    %broadcast_in_dim3A_287 = vector.broadcast %jit3A_286 : f32 to vector<512x1024xf32>
    %select_n3A_288 = arith.select %eq3A_285, %convert_element_type3A, %broadcast_in_dim3A_287 : vector<512x1024xi1>, vector<512x1024xf32>
    %reduce_min3A_289 = arith.constant dense<0x7F800000> : vector<1024xf32>
    %reduce_min3A_290 = vector.multi_reduction <minimumf>, %select_n3A_288, %reduce_min3A_289 [0] : vector<512x1024xf32> to vector<1024xf32>
    %broadcast_in_dim3A_291 = vector.shape_cast %reduce_min3A_290 : vector<1024xf32> to vector<1x1024xf32>
    %lt3A_292 = arith.cmpf olt, %broadcast_in_dim3A_283, %select_n3A_268 : vector<1x1024xf32>
    %add3A_293 = arith.constant 4.608000e+03 : f32
    %add3A_294 = vector.broadcast %add3A_293 : f32 to vector<1x1024xf32>
    %add3A_295 = arith.addf %broadcast_in_dim3A_291, %add3A_294 : vector<1x1024xf32>
    %select_n3A_296 = arith.select %lt3A_292, %add3A_295, %select_n3A_267 : vector<1x1024xi1>, vector<1x1024xf32>
    %select_n3A_297 = arith.select %lt3A_292, %broadcast_in_dim3A_283, %select_n3A_268 : vector<1x1024xi1>, vector<1x1024xf32>
    %get3A_298 = arith.constant 5120 : index
    %get3A_299 = arith.constant 0 : index
    %get3A_300 = vector.load %arg2[%get3A_298, %get3A_299] : memref<8192x32xf32, #tpu.memory_space<vmem>>, vector<512x32xf32>
    %dot_general3A_301 = arith.constant dense<0.000000e+00> : vector<512x1024xf32>
    %dot_general3A_302 = tpu.matmul %get3A_300, %mul3A_5, %dot_general3A_301 {dimension_numbers = #tpu.dot_dimension_numbers<[1], [0], [0], [1], [0, 0, 1, 1], [], []>, transpose_lhs_hint = false} : vector<512x32xf32>, vector<32x1024xf32>, vector<512x1024xf32> -> vector<512x1024xf32>
    %get3A_303 = arith.constant 5120 : index
    %get3A_304 = arith.constant 0 : index
    %get3A_305 = vector.load %arg3[%get3A_303, %get3A_304] : memref<8192x1xf32, #tpu.memory_space<vmem>>, vector<512x1xf32>
    %add3A_306 = vector.broadcast %mul3A_10 : vector<1x1024xf32> to vector<512x1024xf32>
    %add3A_307 = arith.addf %add3A_306, %dot_general3A_302 : vector<512x1024xf32>
    %add3A_308 = vector.broadcast %get3A_305 : vector<512x1xf32> to vector<512x1024xf32>
    %add3A_309 = arith.addf %add3A_307, %add3A_308 : vector<512x1024xf32>
    %reduce_min3A_310 = arith.constant dense<0x7F800000> : vector<1024xf32>
    %reduce_min3A_311 = vector.multi_reduction <minimumf>, %add3A_309, %reduce_min3A_310 [0] : vector<512x1024xf32> to vector<1024xf32>
    %broadcast_in_dim3A_312 = vector.shape_cast %reduce_min3A_311 : vector<1024xf32> to vector<1x1024xf32>
    %eq3A_313 = vector.broadcast %broadcast_in_dim3A_312 : vector<1x1024xf32> to vector<512x1024xf32>
    %eq3A_314 = arith.cmpf oeq, %add3A_309, %eq3A_313 : vector<512x1024xf32>
    %jit3A_315 = arith.constant 3.000000e+38 : f32
    %broadcast_in_dim3A_316 = vector.broadcast %jit3A_315 : f32 to vector<512x1024xf32>
    %select_n3A_317 = arith.select %eq3A_314, %convert_element_type3A, %broadcast_in_dim3A_316 : vector<512x1024xi1>, vector<512x1024xf32>
    %reduce_min3A_318 = arith.constant dense<0x7F800000> : vector<1024xf32>
    %reduce_min3A_319 = vector.multi_reduction <minimumf>, %select_n3A_317, %reduce_min3A_318 [0] : vector<512x1024xf32> to vector<1024xf32>
    %broadcast_in_dim3A_320 = vector.shape_cast %reduce_min3A_319 : vector<1024xf32> to vector<1x1024xf32>
    %lt3A_321 = arith.cmpf olt, %broadcast_in_dim3A_312, %select_n3A_297 : vector<1x1024xf32>
    %add3A_322 = arith.constant 5.120000e+03 : f32
    %add3A_323 = vector.broadcast %add3A_322 : f32 to vector<1x1024xf32>
    %add3A_324 = arith.addf %broadcast_in_dim3A_320, %add3A_323 : vector<1x1024xf32>
    %select_n3A_325 = arith.select %lt3A_321, %add3A_324, %select_n3A_296 : vector<1x1024xi1>, vector<1x1024xf32>
    %select_n3A_326 = arith.select %lt3A_321, %broadcast_in_dim3A_312, %select_n3A_297 : vector<1x1024xi1>, vector<1x1024xf32>
    %get3A_327 = arith.constant 5632 : index
    %get3A_328 = arith.constant 0 : index
    %get3A_329 = vector.load %arg2[%get3A_327, %get3A_328] : memref<8192x32xf32, #tpu.memory_space<vmem>>, vector<512x32xf32>
    %dot_general3A_330 = arith.constant dense<0.000000e+00> : vector<512x1024xf32>
    %dot_general3A_331 = tpu.matmul %get3A_329, %mul3A_5, %dot_general3A_330 {dimension_numbers = #tpu.dot_dimension_numbers<[1], [0], [0], [1], [0, 0, 1, 1], [], []>, transpose_lhs_hint = false} : vector<512x32xf32>, vector<32x1024xf32>, vector<512x1024xf32> -> vector<512x1024xf32>
    %get3A_332 = arith.constant 5632 : index
    %get3A_333 = arith.constant 0 : index
    %get3A_334 = vector.load %arg3[%get3A_332, %get3A_333] : memref<8192x1xf32, #tpu.memory_space<vmem>>, vector<512x1xf32>
    %add3A_335 = vector.broadcast %mul3A_10 : vector<1x1024xf32> to vector<512x1024xf32>
    %add3A_336 = arith.addf %add3A_335, %dot_general3A_331 : vector<512x1024xf32>
    %add3A_337 = vector.broadcast %get3A_334 : vector<512x1xf32> to vector<512x1024xf32>
    %add3A_338 = arith.addf %add3A_336, %add3A_337 : vector<512x1024xf32>
    %reduce_min3A_339 = arith.constant dense<0x7F800000> : vector<1024xf32>
    %reduce_min3A_340 = vector.multi_reduction <minimumf>, %add3A_338, %reduce_min3A_339 [0] : vector<512x1024xf32> to vector<1024xf32>
    %broadcast_in_dim3A_341 = vector.shape_cast %reduce_min3A_340 : vector<1024xf32> to vector<1x1024xf32>
    %eq3A_342 = vector.broadcast %broadcast_in_dim3A_341 : vector<1x1024xf32> to vector<512x1024xf32>
    %eq3A_343 = arith.cmpf oeq, %add3A_338, %eq3A_342 : vector<512x1024xf32>
    %jit3A_344 = arith.constant 3.000000e+38 : f32
    %broadcast_in_dim3A_345 = vector.broadcast %jit3A_344 : f32 to vector<512x1024xf32>
    %select_n3A_346 = arith.select %eq3A_343, %convert_element_type3A, %broadcast_in_dim3A_345 : vector<512x1024xi1>, vector<512x1024xf32>
    %reduce_min3A_347 = arith.constant dense<0x7F800000> : vector<1024xf32>
    %reduce_min3A_348 = vector.multi_reduction <minimumf>, %select_n3A_346, %reduce_min3A_347 [0] : vector<512x1024xf32> to vector<1024xf32>
    %broadcast_in_dim3A_349 = vector.shape_cast %reduce_min3A_348 : vector<1024xf32> to vector<1x1024xf32>
    %lt3A_350 = arith.cmpf olt, %broadcast_in_dim3A_341, %select_n3A_326 : vector<1x1024xf32>
    %add3A_351 = arith.constant 5.632000e+03 : f32
    %add3A_352 = vector.broadcast %add3A_351 : f32 to vector<1x1024xf32>
    %add3A_353 = arith.addf %broadcast_in_dim3A_349, %add3A_352 : vector<1x1024xf32>
    %select_n3A_354 = arith.select %lt3A_350, %add3A_353, %select_n3A_325 : vector<1x1024xi1>, vector<1x1024xf32>
    %select_n3A_355 = arith.select %lt3A_350, %broadcast_in_dim3A_341, %select_n3A_326 : vector<1x1024xi1>, vector<1x1024xf32>
    %get3A_356 = arith.constant 6144 : index
    %get3A_357 = arith.constant 0 : index
    %get3A_358 = vector.load %arg2[%get3A_356, %get3A_357] : memref<8192x32xf32, #tpu.memory_space<vmem>>, vector<512x32xf32>
    %dot_general3A_359 = arith.constant dense<0.000000e+00> : vector<512x1024xf32>
    %dot_general3A_360 = tpu.matmul %get3A_358, %mul3A_5, %dot_general3A_359 {dimension_numbers = #tpu.dot_dimension_numbers<[1], [0], [0], [1], [0, 0, 1, 1], [], []>, transpose_lhs_hint = false} : vector<512x32xf32>, vector<32x1024xf32>, vector<512x1024xf32> -> vector<512x1024xf32>
    %get3A_361 = arith.constant 6144 : index
    %get3A_362 = arith.constant 0 : index
    %get3A_363 = vector.load %arg3[%get3A_361, %get3A_362] : memref<8192x1xf32, #tpu.memory_space<vmem>>, vector<512x1xf32>
    %add3A_364 = vector.broadcast %mul3A_10 : vector<1x1024xf32> to vector<512x1024xf32>
    %add3A_365 = arith.addf %add3A_364, %dot_general3A_360 : vector<512x1024xf32>
    %add3A_366 = vector.broadcast %get3A_363 : vector<512x1xf32> to vector<512x1024xf32>
    %add3A_367 = arith.addf %add3A_365, %add3A_366 : vector<512x1024xf32>
    %reduce_min3A_368 = arith.constant dense<0x7F800000> : vector<1024xf32>
    %reduce_min3A_369 = vector.multi_reduction <minimumf>, %add3A_367, %reduce_min3A_368 [0] : vector<512x1024xf32> to vector<1024xf32>
    %broadcast_in_dim3A_370 = vector.shape_cast %reduce_min3A_369 : vector<1024xf32> to vector<1x1024xf32>
    %eq3A_371 = vector.broadcast %broadcast_in_dim3A_370 : vector<1x1024xf32> to vector<512x1024xf32>
    %eq3A_372 = arith.cmpf oeq, %add3A_367, %eq3A_371 : vector<512x1024xf32>
    %jit3A_373 = arith.constant 3.000000e+38 : f32
    %broadcast_in_dim3A_374 = vector.broadcast %jit3A_373 : f32 to vector<512x1024xf32>
    %select_n3A_375 = arith.select %eq3A_372, %convert_element_type3A, %broadcast_in_dim3A_374 : vector<512x1024xi1>, vector<512x1024xf32>
    %reduce_min3A_376 = arith.constant dense<0x7F800000> : vector<1024xf32>
    %reduce_min3A_377 = vector.multi_reduction <minimumf>, %select_n3A_375, %reduce_min3A_376 [0] : vector<512x1024xf32> to vector<1024xf32>
    %broadcast_in_dim3A_378 = vector.shape_cast %reduce_min3A_377 : vector<1024xf32> to vector<1x1024xf32>
    %lt3A_379 = arith.cmpf olt, %broadcast_in_dim3A_370, %select_n3A_355 : vector<1x1024xf32>
    %add3A_380 = arith.constant 6.144000e+03 : f32
    %add3A_381 = vector.broadcast %add3A_380 : f32 to vector<1x1024xf32>
    %add3A_382 = arith.addf %broadcast_in_dim3A_378, %add3A_381 : vector<1x1024xf32>
    %select_n3A_383 = arith.select %lt3A_379, %add3A_382, %select_n3A_354 : vector<1x1024xi1>, vector<1x1024xf32>
    %select_n3A_384 = arith.select %lt3A_379, %broadcast_in_dim3A_370, %select_n3A_355 : vector<1x1024xi1>, vector<1x1024xf32>
    %get3A_385 = arith.constant 6656 : index
    %get3A_386 = arith.constant 0 : index
    %get3A_387 = vector.load %arg2[%get3A_385, %get3A_386] : memref<8192x32xf32, #tpu.memory_space<vmem>>, vector<512x32xf32>
    %dot_general3A_388 = arith.constant dense<0.000000e+00> : vector<512x1024xf32>
    %dot_general3A_389 = tpu.matmul %get3A_387, %mul3A_5, %dot_general3A_388 {dimension_numbers = #tpu.dot_dimension_numbers<[1], [0], [0], [1], [0, 0, 1, 1], [], []>, transpose_lhs_hint = false} : vector<512x32xf32>, vector<32x1024xf32>, vector<512x1024xf32> -> vector<512x1024xf32>
    %get3A_390 = arith.constant 6656 : index
    %get3A_391 = arith.constant 0 : index
    %get3A_392 = vector.load %arg3[%get3A_390, %get3A_391] : memref<8192x1xf32, #tpu.memory_space<vmem>>, vector<512x1xf32>
    %add3A_393 = vector.broadcast %mul3A_10 : vector<1x1024xf32> to vector<512x1024xf32>
    %add3A_394 = arith.addf %add3A_393, %dot_general3A_389 : vector<512x1024xf32>
    %add3A_395 = vector.broadcast %get3A_392 : vector<512x1xf32> to vector<512x1024xf32>
    %add3A_396 = arith.addf %add3A_394, %add3A_395 : vector<512x1024xf32>
    %reduce_min3A_397 = arith.constant dense<0x7F800000> : vector<1024xf32>
    %reduce_min3A_398 = vector.multi_reduction <minimumf>, %add3A_396, %reduce_min3A_397 [0] : vector<512x1024xf32> to vector<1024xf32>
    %broadcast_in_dim3A_399 = vector.shape_cast %reduce_min3A_398 : vector<1024xf32> to vector<1x1024xf32>
    %eq3A_400 = vector.broadcast %broadcast_in_dim3A_399 : vector<1x1024xf32> to vector<512x1024xf32>
    %eq3A_401 = arith.cmpf oeq, %add3A_396, %eq3A_400 : vector<512x1024xf32>
    %jit3A_402 = arith.constant 3.000000e+38 : f32
    %broadcast_in_dim3A_403 = vector.broadcast %jit3A_402 : f32 to vector<512x1024xf32>
    %select_n3A_404 = arith.select %eq3A_401, %convert_element_type3A, %broadcast_in_dim3A_403 : vector<512x1024xi1>, vector<512x1024xf32>
    %reduce_min3A_405 = arith.constant dense<0x7F800000> : vector<1024xf32>
    %reduce_min3A_406 = vector.multi_reduction <minimumf>, %select_n3A_404, %reduce_min3A_405 [0] : vector<512x1024xf32> to vector<1024xf32>
    %broadcast_in_dim3A_407 = vector.shape_cast %reduce_min3A_406 : vector<1024xf32> to vector<1x1024xf32>
    %lt3A_408 = arith.cmpf olt, %broadcast_in_dim3A_399, %select_n3A_384 : vector<1x1024xf32>
    %add3A_409 = arith.constant 6.656000e+03 : f32
    %add3A_410 = vector.broadcast %add3A_409 : f32 to vector<1x1024xf32>
    %add3A_411 = arith.addf %broadcast_in_dim3A_407, %add3A_410 : vector<1x1024xf32>
    %select_n3A_412 = arith.select %lt3A_408, %add3A_411, %select_n3A_383 : vector<1x1024xi1>, vector<1x1024xf32>
    %select_n3A_413 = arith.select %lt3A_408, %broadcast_in_dim3A_399, %select_n3A_384 : vector<1x1024xi1>, vector<1x1024xf32>
    %get3A_414 = arith.constant 7168 : index
    %get3A_415 = arith.constant 0 : index
    %get3A_416 = vector.load %arg2[%get3A_414, %get3A_415] : memref<8192x32xf32, #tpu.memory_space<vmem>>, vector<512x32xf32>
    %dot_general3A_417 = arith.constant dense<0.000000e+00> : vector<512x1024xf32>
    %dot_general3A_418 = tpu.matmul %get3A_416, %mul3A_5, %dot_general3A_417 {dimension_numbers = #tpu.dot_dimension_numbers<[1], [0], [0], [1], [0, 0, 1, 1], [], []>, transpose_lhs_hint = false} : vector<512x32xf32>, vector<32x1024xf32>, vector<512x1024xf32> -> vector<512x1024xf32>
    %get3A_419 = arith.constant 7168 : index
    %get3A_420 = arith.constant 0 : index
    %get3A_421 = vector.load %arg3[%get3A_419, %get3A_420] : memref<8192x1xf32, #tpu.memory_space<vmem>>, vector<512x1xf32>
    %add3A_422 = vector.broadcast %mul3A_10 : vector<1x1024xf32> to vector<512x1024xf32>
    %add3A_423 = arith.addf %add3A_422, %dot_general3A_418 : vector<512x1024xf32>
    %add3A_424 = vector.broadcast %get3A_421 : vector<512x1xf32> to vector<512x1024xf32>
    %add3A_425 = arith.addf %add3A_423, %add3A_424 : vector<512x1024xf32>
    %reduce_min3A_426 = arith.constant dense<0x7F800000> : vector<1024xf32>
    %reduce_min3A_427 = vector.multi_reduction <minimumf>, %add3A_425, %reduce_min3A_426 [0] : vector<512x1024xf32> to vector<1024xf32>
    %broadcast_in_dim3A_428 = vector.shape_cast %reduce_min3A_427 : vector<1024xf32> to vector<1x1024xf32>
    %eq3A_429 = vector.broadcast %broadcast_in_dim3A_428 : vector<1x1024xf32> to vector<512x1024xf32>
    %eq3A_430 = arith.cmpf oeq, %add3A_425, %eq3A_429 : vector<512x1024xf32>
    %jit3A_431 = arith.constant 3.000000e+38 : f32
    %broadcast_in_dim3A_432 = vector.broadcast %jit3A_431 : f32 to vector<512x1024xf32>
    %select_n3A_433 = arith.select %eq3A_430, %convert_element_type3A, %broadcast_in_dim3A_432 : vector<512x1024xi1>, vector<512x1024xf32>
    %reduce_min3A_434 = arith.constant dense<0x7F800000> : vector<1024xf32>
    %reduce_min3A_435 = vector.multi_reduction <minimumf>, %select_n3A_433, %reduce_min3A_434 [0] : vector<512x1024xf32> to vector<1024xf32>
    %broadcast_in_dim3A_436 = vector.shape_cast %reduce_min3A_435 : vector<1024xf32> to vector<1x1024xf32>
    %lt3A_437 = arith.cmpf olt, %broadcast_in_dim3A_428, %select_n3A_413 : vector<1x1024xf32>
    %add3A_438 = arith.constant 7.168000e+03 : f32
    %add3A_439 = vector.broadcast %add3A_438 : f32 to vector<1x1024xf32>
    %add3A_440 = arith.addf %broadcast_in_dim3A_436, %add3A_439 : vector<1x1024xf32>
    %select_n3A_441 = arith.select %lt3A_437, %add3A_440, %select_n3A_412 : vector<1x1024xi1>, vector<1x1024xf32>
    %select_n3A_442 = arith.select %lt3A_437, %broadcast_in_dim3A_428, %select_n3A_413 : vector<1x1024xi1>, vector<1x1024xf32>
    %get3A_443 = arith.constant 7680 : index
    %get3A_444 = arith.constant 0 : index
    %get3A_445 = vector.load %arg2[%get3A_443, %get3A_444] : memref<8192x32xf32, #tpu.memory_space<vmem>>, vector<512x32xf32>
    %dot_general3A_446 = arith.constant dense<0.000000e+00> : vector<512x1024xf32>
    %dot_general3A_447 = tpu.matmul %get3A_445, %mul3A_5, %dot_general3A_446 {dimension_numbers = #tpu.dot_dimension_numbers<[1], [0], [0], [1], [0, 0, 1, 1], [], []>, transpose_lhs_hint = false} : vector<512x32xf32>, vector<32x1024xf32>, vector<512x1024xf32> -> vector<512x1024xf32>
    %get3A_448 = arith.constant 7680 : index
    %get3A_449 = arith.constant 0 : index
    %get3A_450 = vector.load %arg3[%get3A_448, %get3A_449] : memref<8192x1xf32, #tpu.memory_space<vmem>>, vector<512x1xf32>
    %add3A_451 = vector.broadcast %mul3A_10 : vector<1x1024xf32> to vector<512x1024xf32>
    %add3A_452 = arith.addf %add3A_451, %dot_general3A_447 : vector<512x1024xf32>
    %add3A_453 = vector.broadcast %get3A_450 : vector<512x1xf32> to vector<512x1024xf32>
    %add3A_454 = arith.addf %add3A_452, %add3A_453 : vector<512x1024xf32>
    %reduce_min3A_455 = arith.constant dense<0x7F800000> : vector<1024xf32>
    %reduce_min3A_456 = vector.multi_reduction <minimumf>, %add3A_454, %reduce_min3A_455 [0] : vector<512x1024xf32> to vector<1024xf32>
    %broadcast_in_dim3A_457 = vector.shape_cast %reduce_min3A_456 : vector<1024xf32> to vector<1x1024xf32>
    %eq3A_458 = vector.broadcast %broadcast_in_dim3A_457 : vector<1x1024xf32> to vector<512x1024xf32>
    %eq3A_459 = arith.cmpf oeq, %add3A_454, %eq3A_458 : vector<512x1024xf32>
    %jit3A_460 = arith.constant 3.000000e+38 : f32
    %broadcast_in_dim3A_461 = vector.broadcast %jit3A_460 : f32 to vector<512x1024xf32>
    %select_n3A_462 = arith.select %eq3A_459, %convert_element_type3A, %broadcast_in_dim3A_461 : vector<512x1024xi1>, vector<512x1024xf32>
    %reduce_min3A_463 = arith.constant dense<0x7F800000> : vector<1024xf32>
    %reduce_min3A_464 = vector.multi_reduction <minimumf>, %select_n3A_462, %reduce_min3A_463 [0] : vector<512x1024xf32> to vector<1024xf32>
    %broadcast_in_dim3A_465 = vector.shape_cast %reduce_min3A_464 : vector<1024xf32> to vector<1x1024xf32>
    %lt3A_466 = arith.cmpf olt, %broadcast_in_dim3A_457, %select_n3A_442 : vector<1x1024xf32>
    %add3A_467 = arith.constant 7.680000e+03 : f32
    %add3A_468 = vector.broadcast %add3A_467 : f32 to vector<1x1024xf32>
    %add3A_469 = arith.addf %broadcast_in_dim3A_465, %add3A_468 : vector<1x1024xf32>
    %select_n3A_470 = arith.select %lt3A_466, %add3A_469, %select_n3A_441 : vector<1x1024xi1>, vector<1x1024xf32>
    %select_n3A_471 = arith.select %lt3A_466, %broadcast_in_dim3A_457, %select_n3A_442 : vector<1x1024xi1>, vector<1x1024xf32>
    %convert_element_type3A_472 = arith.fptosi %select_n3A_470 : vector<1x1024xf32> to vector<1x1024xi32>
    %reshape3A = vector.shape_cast %convert_element_type3A_472 : vector<1x1024xi32> to vector<1x1x1024xi32>
    %swap3A = arith.constant 0 : index
    %swap3A_473 = arith.constant 0 : index
    %swap3A_474 = arith.constant 0 : index
    %swap3A_475 = vector.load %arg4[%swap3A, %swap3A_473, %swap3A_474] : memref<1x1x1024xi32, #tpu.memory_space<vmem>>, vector<1x1x1024xi32>
    tpu.vector_store %arg4[%swap3A, %swap3A_473, %swap3A_474], %reshape3A {strides = array<i32>} : memref<1x1x1024xi32, #tpu.memory_space<vmem>>, vector<1x1x1024xi32>,
    %reshape3A_476 = vector.shape_cast %select_n3A_471 : vector<1x1024xf32> to vector<1x1x1024xf32>
    %swap3A_477 = arith.constant 0 : index
    %swap3A_478 = arith.constant 0 : index
    %swap3A_479 = arith.constant 0 : index
    %swap3A_480 = vector.load %arg5[%swap3A_477, %swap3A_478, %swap3A_479] : memref<1x1x1024xf32, #tpu.memory_space<vmem>>, vector<1x1x1024xf32>
    tpu.vector_store %arg5[%swap3A_477, %swap3A_478, %swap3A_479], %reshape3A_476 {strides = array<i32>} : memref<1x1x1024xf32, #tpu.memory_space<vmem>>, vector<1x1x1024xf32>,
    return
  }
  func.func @transform_0(%arg0: i32) -> (i32, i32, i32) {
    %c0_i32 = arith.constant 0 : i32
    %c0_i32_0 = arith.constant 0 : i32
    %c0_i32_1 = arith.constant 0 : i32
    return %arg0, %c0_i32, %c0_i32_0 : i32, i32, i32
  }
  func.func @transform_1(%arg0: i32) -> (i32, i32) {
    %c0_i32 = arith.constant 0 : i32
    %c0_i32_0 = arith.constant 0 : i32
    %c0_i32_1 = arith.constant 0 : i32
    return %c0_i32, %c0_i32_0 : i32, i32
  }
  func.func @transform_2(%arg0: i32) -> (i32, i32) {
    %c0_i32 = arith.constant 0 : i32
    %c0_i32_0 = arith.constant 0 : i32
    %c0_i32_1 = arith.constant 0 : i32
    return %c0_i32, %c0_i32_0 : i32, i32
  }
  func.func @transform_3(%arg0: i32) -> (i32, i32, i32) {
    %c0_i32 = arith.constant 0 : i32
    %c0_i32_0 = arith.constant 0 : i32
    %c0_i32_1 = arith.constant 0 : i32
    return %arg0, %c0_i32, %c0_i32_0 : i32, i32, i32
  }
  func.func @transform_4(%arg0: i32) -> (i32, i32, i32) {
    %c0_i32 = arith.constant 0 : i32
    %c0_i32_0 = arith.constant 0 : i32
    %c0_i32_1 = arith.constant 0 : i32
    return %arg0, %c0_i32, %c0_i32_0 : i32, i32, i32
  }
}

module attributes {stable_mosaic.version = 14 : i64} {
  func.func @_ste_body(%arg0: i32, %arg1: memref<4096x32xf32, #tpu.memory_space<vmem>>, %arg2: memref<4x32x1024xf32, #tpu.memory_space<vmem>>, %arg3: memref<4x32x1024xf32, #tpu.memory_space<vmem>>) attributes {dimension_semantics = [#tpu.dimension_semantics<arbitrary>], iteration_bounds = array<i64: 2>, scalar_prefetch = 0 : i64, scratch_operands = 0 : i64, tpu.core_type = #tpu.core_type<tc>, window_params = [{transform_indices = @transform_0, window_bounds = array<i64: 4096, 32>}, {transform_indices = @transform_1, window_bounds = array<i64: 4, 32, 1024>}, {transform_indices = @transform_2, window_bounds = array<i64: 4, 32, 1024>}]} {
    %get3A = arith.constant 0 : index
    %get3A_0 = arith.constant 0 : index
    %get3A_1 = vector.load %arg1[%get3A, %get3A_0] : memref<4096x32xf32, #tpu.memory_space<vmem>>, vector<4096x32xf32>
    %transpose3A = tpu.transpose %get3A_1, [1, 0] : vector<4096x32xf32> -> vector<32x4096xf32>
    %get3A_2 = arith.constant 0 : index
    %get3A_3 = arith.constant 0 : index
    %get3A_4 = arith.constant 0 : index
    %get3A_5 = vector.load %arg2[%get3A_2, %get3A_3, %get3A_4] : memref<4x32x1024xf32, #tpu.memory_space<vmem>>, vector<1x32x1024xf32>
    %get3A_6 = vector.shape_cast %get3A_5 : vector<1x32x1024xf32> to vector<32x1024xf32>
    %slice3A = vector.extract_strided_slice %transpose3A {offsets = [0, 0], sizes = [32, 1024], strides = [1, 1]} : vector<32x4096xf32> to vector<32x1024xf32>
    %sub3A = arith.subf %slice3A, %get3A_6 : vector<32x1024xf32>
    %add3A = arith.addf %get3A_6, %sub3A : vector<32x1024xf32>
    %swap3A = arith.constant 0 : index
    %swap3A_7 = arith.constant 0 : index
    %swap3A_8 = arith.constant 0 : index
    %swap3A_9 = vector.load %arg3[%swap3A, %swap3A_7, %swap3A_8] : memref<4x32x1024xf32, #tpu.memory_space<vmem>>, vector<1x32x1024xf32>
    %swap3A_10 = vector.shape_cast %swap3A_9 : vector<1x32x1024xf32> to vector<32x1024xf32>
    %swap3A_11 = vector.shape_cast %add3A : vector<32x1024xf32> to vector<1x32x1024xf32>
    tpu.vector_store %arg3[%swap3A, %swap3A_7, %swap3A_8], %swap3A_11 {strides = array<i32>} : memref<4x32x1024xf32, #tpu.memory_space<vmem>>, vector<1x32x1024xf32>,
    %get3A_12 = arith.constant 1 : index
    %get3A_13 = arith.constant 0 : index
    %get3A_14 = arith.constant 0 : index
    %get3A_15 = vector.load %arg2[%get3A_12, %get3A_13, %get3A_14] : memref<4x32x1024xf32, #tpu.memory_space<vmem>>, vector<1x32x1024xf32>
    %get3A_16 = vector.shape_cast %get3A_15 : vector<1x32x1024xf32> to vector<32x1024xf32>
    %slice3A_17 = vector.extract_strided_slice %transpose3A {offsets = [0, 1024], sizes = [32, 1024], strides = [1, 1]} : vector<32x4096xf32> to vector<32x1024xf32>
    %sub3A_18 = arith.subf %slice3A_17, %get3A_16 : vector<32x1024xf32>
    %add3A_19 = arith.addf %get3A_16, %sub3A_18 : vector<32x1024xf32>
    %swap3A_20 = arith.constant 1 : index
    %swap3A_21 = arith.constant 0 : index
    %swap3A_22 = arith.constant 0 : index
    %swap3A_23 = vector.load %arg3[%swap3A_20, %swap3A_21, %swap3A_22] : memref<4x32x1024xf32, #tpu.memory_space<vmem>>, vector<1x32x1024xf32>
    %swap3A_24 = vector.shape_cast %swap3A_23 : vector<1x32x1024xf32> to vector<32x1024xf32>
    %swap3A_25 = vector.shape_cast %add3A_19 : vector<32x1024xf32> to vector<1x32x1024xf32>
    tpu.vector_store %arg3[%swap3A_20, %swap3A_21, %swap3A_22], %swap3A_25 {strides = array<i32>} : memref<4x32x1024xf32, #tpu.memory_space<vmem>>, vector<1x32x1024xf32>,
    %get3A_26 = arith.constant 2 : index
    %get3A_27 = arith.constant 0 : index
    %get3A_28 = arith.constant 0 : index
    %get3A_29 = vector.load %arg2[%get3A_26, %get3A_27, %get3A_28] : memref<4x32x1024xf32, #tpu.memory_space<vmem>>, vector<1x32x1024xf32>
    %get3A_30 = vector.shape_cast %get3A_29 : vector<1x32x1024xf32> to vector<32x1024xf32>
    %slice3A_31 = vector.extract_strided_slice %transpose3A {offsets = [0, 2048], sizes = [32, 1024], strides = [1, 1]} : vector<32x4096xf32> to vector<32x1024xf32>
    %sub3A_32 = arith.subf %slice3A_31, %get3A_30 : vector<32x1024xf32>
    %add3A_33 = arith.addf %get3A_30, %sub3A_32 : vector<32x1024xf32>
    %swap3A_34 = arith.constant 2 : index
    %swap3A_35 = arith.constant 0 : index
    %swap3A_36 = arith.constant 0 : index
    %swap3A_37 = vector.load %arg3[%swap3A_34, %swap3A_35, %swap3A_36] : memref<4x32x1024xf32, #tpu.memory_space<vmem>>, vector<1x32x1024xf32>
    %swap3A_38 = vector.shape_cast %swap3A_37 : vector<1x32x1024xf32> to vector<32x1024xf32>
    %swap3A_39 = vector.shape_cast %add3A_33 : vector<32x1024xf32> to vector<1x32x1024xf32>
    tpu.vector_store %arg3[%swap3A_34, %swap3A_35, %swap3A_36], %swap3A_39 {strides = array<i32>} : memref<4x32x1024xf32, #tpu.memory_space<vmem>>, vector<1x32x1024xf32>,
    %get3A_40 = arith.constant 3 : index
    %get3A_41 = arith.constant 0 : index
    %get3A_42 = arith.constant 0 : index
    %get3A_43 = vector.load %arg2[%get3A_40, %get3A_41, %get3A_42] : memref<4x32x1024xf32, #tpu.memory_space<vmem>>, vector<1x32x1024xf32>
    %get3A_44 = vector.shape_cast %get3A_43 : vector<1x32x1024xf32> to vector<32x1024xf32>
    %slice3A_45 = vector.extract_strided_slice %transpose3A {offsets = [0, 3072], sizes = [32, 1024], strides = [1, 1]} : vector<32x4096xf32> to vector<32x1024xf32>
    %sub3A_46 = arith.subf %slice3A_45, %get3A_44 : vector<32x1024xf32>
    %add3A_47 = arith.addf %get3A_44, %sub3A_46 : vector<32x1024xf32>
    %swap3A_48 = arith.constant 3 : index
    %swap3A_49 = arith.constant 0 : index
    %swap3A_50 = arith.constant 0 : index
    %swap3A_51 = vector.load %arg3[%swap3A_48, %swap3A_49, %swap3A_50] : memref<4x32x1024xf32, #tpu.memory_space<vmem>>, vector<1x32x1024xf32>
    %swap3A_52 = vector.shape_cast %swap3A_51 : vector<1x32x1024xf32> to vector<32x1024xf32>
    %swap3A_53 = vector.shape_cast %add3A_47 : vector<32x1024xf32> to vector<1x32x1024xf32>
    tpu.vector_store %arg3[%swap3A_48, %swap3A_49, %swap3A_50], %swap3A_53 {strides = array<i32>} : memref<4x32x1024xf32, #tpu.memory_space<vmem>>, vector<1x32x1024xf32>,
    return
  }
  func.func @transform_0(%arg0: i32) -> (i32, i32) {
    %c0_i32 = arith.constant 0 : i32
    %c0_i32_0 = arith.constant 0 : i32
    return %arg0, %c0_i32 : i32, i32
  }
  func.func @transform_1(%arg0: i32) -> (i32, i32, i32) {
    %c0_i32 = arith.constant 0 : i32
    %c0_i32_0 = arith.constant 0 : i32
    %c0_i32_1 = arith.constant 0 : i32
    return %arg0, %c0_i32, %c0_i32_0 : i32, i32, i32
  }
  func.func @transform_2(%arg0: i32) -> (i32, i32, i32) {
    %c0_i32 = arith.constant 0 : i32
    %c0_i32_0 = arith.constant 0 : i32
    %c0_i32_1 = arith.constant 0 : i32
    return %arg0, %c0_i32, %c0_i32_0 : i32, i32, i32
  }
}

</mosaic_0001>

<sc_bundles>
// kernel: kernel.5.cloned.1.call-start
scs
__scs_entry_jumppad:
0x0: {  	(pc) =	sbr.rel $0x88, $3  }
0x1: {  	(tag) =	ssettag $0x0;
	lr =	simm.s32 $0x1  }
0x2: {  	[smem:$0x3F9F] =	sst lr;
	_ =	strace $0xD0000000  }
0x3: {  	_ = 	snop  }
0x4: {  	_ = 	snop  }
0x5: {  	_ = 	snop  }
0x6: {  	_ = 	snop  }
0x7: {  	_ = 	snop  }
__scs_overlays_trampoline_lowered:
0x8: {  	[smem:$0x3FAE] =	sst s0  }
0x9: {  	[smem:$0x3FAF] =	sst s1  }
0xa: {  	[smem:$0x3FB0] =	sst s2  }
0xb: {  	[smem:$0x3FB1] =	sst s3  }
0xc: {  	[smem:$0x3FB2] =	sst s4  }
0xd: {  	[smem:$0x3FB3] =	sst s5  }
0xe: {  	[smem:$0x3FB4] =	sst s6  }
0xf: {  	[smem:$0x3FB5] =	sst s7  }
0x10: {  	[smem:$0x3FB6] =	sst s8  }
0x11: {  	[smem:$0x3FB7] =	sst s9;
	s0 =	simm.s32 @!p0 $0x0  }
0x12: {  	s1 =	sld [smem:$0x3F9D];
	s0 =	simm.s32 @p0 $0x1  }
0x13: {  	[smem:$0x3FB8] =	sst s0;
	s0 =	simm.s32 @!p1 $0x0  }
0x14: {  	s2 =	sld [smem:$0x3F9C];
	s0 =	simm.s32 @p1 $0x1  }
0x15: {  	[smem:$0x3FB9] =	sst s0;
	s0 =	simm.s32 @!p2 $0x0  }
0x16: {  	s3 =	sld [smem:$0x3FDB];
	s0 =	simm.s32 @p2 $0x1  }
0x17: {  	s4 =	simm.s32 $0x1BF5;
	[smem:$0x3FBB] =	sst s0  }
0x18: {  	s0 =	sld [smem:$0x3F9E];
	_ =	swait.ge [sflag:s4], $0x0  }
0x19: {  	s7 =	sld [smem:$0x3F9F]  }
0x1a: {  	s8 =	sadd.s32 $0xFFFFE003, lr  }
0x1b: {  	s9 =	sadd.s32 $0xFFFFFEF7, lr;
	s5 =	simm.s32 $0xFFFFFFFF;
	p2 =	slt.u32 s8, $0xFFFFF086  }
0x1c: {  	p1 =	slt.u32 s9, $0xF7A;
	s5 =	simm.s32 @!p2 $0x0  }
0x1d: {  	s5 =	simm.s32 @p1 $0x1;
	p0 =	seq.s32 s7, s2  }
0x1e: {  	s7 =	smul.u32 @!p0 $0xF7A, s2;
	p2 =	seq.s32 @!p0 s5, $0x0  }
0x1f: {  	s9 =	smul.u32 $0xF7A, s1;
	s8 =	simm.s32 @!p0 $0x1BF5;
	p2 =	por !p2, p0  }
0x20: {  	[sflag:s8] =	ssyncset.s32 @!p0 $0xFFFFF086;
	s6 =	sadd.s32 @!p0 s3, s7;
	s7 =	simm.s32 @!p0 $0x108  }
0x21: {  	s3 =	sadd.s32 s3, s9;
	s6 =	sadd.s32 @!p0 $0x88, s6;
	s7 =	simm.s32 @p2 $0x1082  }
0x22: {  	[simem:s7], [sflag:s8] =	dma.local @!p0 [hbm:s6], $0xF7A  }
0x23: {  	s9 =	sor.u32 $0xD0000000, s2;
	s6 =	simm.s32 $0x108;
	_ =	swait.ge @!p0 [sflag:s8], $0x0  }
0x24: {  	s3 =	sadd.s32 $0x88, s3;
	s6 =	simm.s32 @!p1 $0x1082;
	[sflag:s4] =	ssyncset.s32 $0xFFFFF086  }
0x25: {  	[simem:s6], [sflag:s4] =	dma.local [hbm:s3], $0xF7A  }
0x26: {  	[smem:$0x3F9F] =	sst s1;
	(tag) =	ssettag s2;
	_ =	strace s9  }
0x27: {  	s1 =	sld [smem:$0x3FAF]  }
0x28: {  	s2 =	sld [smem:$0x3FB0]  }
0x29: {  	s4 =	sld [smem:$0x3FB2]  }
0x2a: {  	p0 =	seq.s32 s5, $0x0;
	s5 =	sld [smem:$0x3FB3]  }
0x2b: {  	s6 =	sld [smem:$0x3FB4]  }
0x2c: {  	s7 =	sld [smem:$0x3FB5]  }
0x2d: {  	s3 =	simm.s32 $0x108;
	s8 =	sld [smem:$0x3FB6]  }
0x2e: {  	s3 =	simm.s32 @!p0 $0x1082;
	s9 =	sld [smem:$0x3FB7]  }
0x2f: {  	lr =	sadd.s32 s0, s3;
	s0 =	sld [smem:$0x3FAE]  }
0x30: {  	s3 =	sld [smem:$0x3FB1]  }
0x31: {  	[smem:$0x3FBA] =	sst s10  }
0x32: {  	s10 =	sld [smem:$0x3FB8];
	_ =	sdelay $0x3  }
0x33: {  	p0 =	seq.s32 s10, $0x1;
	s10 =	sld [smem:$0x3FBA];
	_ =	sdelay $0x3  }
0x34: {  	[smem:$0x3FBA] =	sst s10  }
0x35: {  	s10 =	sld [smem:$0x3FB9];
	_ =	sdelay $0x3  }
0x36: {  	p1 =	seq.s32 s10, $0x1;
	s10 =	sld [smem:$0x3FBA];
	_ =	sdelay $0x3  }
0x37: {  	[smem:$0x3FBA] =	sst s10  }
0x38: {  	s10 =	sld [smem:$0x3FBB]  }
0x39: {  	_ = 	snop;
	(pc) =	sbr.ind lr, $3  }
0x3a: {  	_ = 	snop  }
0x3b: {  	_ = 	snop  }
0x3c: {  	p2 =	seq.s32 s10, $0x1;
	s10 =	sld [smem:$0x3FBA]  }
0x3d: {  	_ =	shalt  }
0x3e: {  	_ =	shalt  }
0x3f: {  	_ =	shalt  }
0x40: {  	_ =	shalt  }
0x41: {  	_ =	shalt  }
0x42: {  	_ =	shalt  }
0x43: {  	_ =	shalt  }
0x44: {  	_ =	shalt  }
0x45: {  	_ =	shalt  }
0x46: {  	_ =	shalt  }
0x47: {  	_ =	shalt  }
0x48: {  	_ =	shalt  }
0x49: {  	_ =	shalt  }
0x4a: {  	_ =	shalt  }
0x4b: {  	_ =	shalt  }
0x4c: {  	_ =	shalt  }
0x4d: {  	_ =	shalt  }
0x4e: {  	_ =	shalt  }
0x4f: {  	_ =	shalt  }
0x50: {  	_ =	shalt  }
0x51: {  	_ =	shalt  }
0x52: {  	_ =	shalt  }
0x53: {  	_ =	shalt  }
0x54: {  	_ =	shalt  }
0x55: {  	_ =	shalt  }
0x56: {  	_ =	shalt  }
0x57: {  	_ =	shalt  }
0x58: {  	_ =	shalt  }
0x59: {  	_ =	shalt  }
0x5a: {  	_ =	shalt  }
0x5b: {  	_ =	shalt  }
0x5c: {  	_ =	shalt  }
0x5d: {  	_ =	shalt  }
0x5e: {  	_ =	shalt  }
0x5f: {  	_ =	shalt  }
0x60: {  	_ =	shalt  }
0x61: {  	_ =	shalt  }
0x62: {  	_ =	shalt  }
0x63: {  	_ =	shalt  }
0x64: {  	_ =	shalt  }
0x65: {  	_ =	shalt  }
0x66: {  	_ =	shalt  }
0x67: {  	_ =	shalt  }
0x68: {  	_ =	shalt  }
0x69: {  	_ =	shalt  }
0x6a: {  	_ =	shalt  }
0x6b: {  	_ =	shalt  }
0x6c: {  	_ =	shalt  }
0x6d: {  	_ =	shalt  }
0x6e: {  	_ =	shalt  }
0x6f: {  	_ =	shalt  }
0x70: {  	_ =	shalt  }
0x71: {  	_ =	shalt  }
0x72: {  	_ =	shalt  }
0x73: {  	_ =	shalt  }
0x74: {  	_ =	shalt  }
0x75: {  	_ =	shalt  }
0x76: {  	_ =	shalt  }
0x77: {  	_ =	shalt  }
0x78: {  	_ =	shalt  }
0x79: {  	_ =	shalt  }
0x7a: {  	_ =	shalt  }
0x7b: {  	_ =	shalt  }
0x7c: {  	_ =	shalt  }
0x7d: {  	_ =	shalt  }
0x7e: {  	_ =	shalt  }
0x7f: {  	_ =	shalt  }
0x80: {  	_ =	shalt  }
0x81: {  	_ =	shalt  }
0x82: {  	_ =	shalt  }
0x83: {  	_ =	shalt  }
0x84: {  	_ =	shalt  }
0x85: {  	_ =	shalt  }
0x86: {  	_ =	shalt  }
0x87: {  	_ =	shalt  }
.Lfunc_end0:
.L_simem_size_0:
called_computation_lowered:
.L_overlay_start_0:
0x88: {  	s2 =	sld [smem:$0x3FD9]  }
0x89: {  	s3 =	sld [smem:$0x3FFE];
	_ =	sdelay $0x1  }
0x8a: {  	s1 =	srdreg.scid  }
0x8b: {  	s0 =	sand.u32 $0x1, s1  }
0x8c: {  	s14 =	sshll.u32 s0, $0xA;
	s2 =	sadd.s32 s3, s2  }
0x8d: {  	s2 =	sadd.s32 s2, s14  }
0x8e: {  	[smem:$0x3FC6] =	sst s2  }
0x8f: {  	_ = 	snop  }
0x90: {  	s2 =	sld [smem:$0x3FD0];
	_ =	sdelay $0x2  }
0x91: {  	s15 =	simm.s32 $0xA;
	s4 =	simm.s32 $0x10  }
0x92: {  	[smem:s4], [sflag:s15] =	dma.local [hbm:s2], $0x1  }
0x93: {  	_ =	swait.eq [sflag:s15], $0x1  }
0x94: {  	[sflag:s15] =	ssyncset.done $0x0  }
0x95: {  	[sflag:s15] =	ssyncadd.s32 $0xFFFFFFFF  }
0x96: {  	s16 =	sld [smem:$0x10];
	(tm) =	ssettm $0x1  }
0x97: {  	s17 =	sld [smem:$0x3FFB];
	_ =	sdelay $0x3  }
0x98: {  	_ =	strace s17  }
0x99: {  	s3 =	sld [smem:$0x3FFC];
	_ =	sdelay $0x3  }
0x9a: {  	_ =	strace s3  }
0x9b: {  	s3 =	sld [smem:$0x3FFD];
	_ =	sdelay $0x3  }
0x9c: {  	_ =	strace s3  }
0x9d: {  	_ =	strace $0x8FFFFFFF  }
0x9e: {  	s18 =	sld [smem:$0x3FDB];
	_ =	sdelay $0x1  }
0x9f: {  	s19 =	simm.s32 $_scs_section_size  }
0xa0: {  	s5 =	simm.s32 $_size__tile_overlayer_lowered;
	s6 =	simm.s32 $_tile_overlayer_lowered  }
0xa1: {  	s22 =	simm.s32 $0x1BFF;
	s21 =	sshll.u32 s6, $0x1;
	s3 =	sadd.s32 s19, s18  }
0xa2: {  	s7 =	simm.s32 $0x0;
	s20 =	sshll.u32 s5, $0x1;
	s5 =	sadd.s32 s21, s3  }
0xa3: {  	[timem:s7], [sflag:s22] =	dma.local [hbm:s5], s20  }
0xa4: {  	_ =	swait.ge [sflag:s22], s20  }
0xa5: {  	s4 =	ssub.s32 $0x0, s20;
	[sflag:s22] =	ssyncset.done $0x0  }
0xa6: {  	[sflag:s22] =	ssyncadd.s32 s4;
	_ =	sdelay $0x1  }
0xa7: {  	s23 =	simm.s32 $0x1B8B  }
0xa8: {  	_ =	swait.ge [sflag:s23], $0x1  }
0xa9: {  	[sflag:s23] =	ssyncset.done $0x0  }
0xaa: {  	s25 =	simm.s32 $0x1B8E;
	s24 =	sld [smem:$0x3FFE];
	[sflag:s23] =	ssyncadd.s32 $0xFFFFFFFF  }
0xab: {  	s26 =	simm.s32 $execute0_lowered;
	[smem:$0x3FD2] =	sst s25  }
0xac: {  	s5 =	sshll.u32 s26, $0x1;
	_ =	strace $0x80000046;
	[dreg:$0x1] =	wrdreg $0xFFFFFFFF  }
0xad: {  	s28 =	simm.s32 $_size_execute0_lowered;
	s3 =	sadd.s32 s3, s5;
	[dreg:$0x0] =	wrdreg $0x0  }
0xae: {  	s5 =	sshll.u32 s28, $0x1;
	[dreg:$0x2] =	wrdreg s3  }
0xaf: {  	[dreg:$0x3] =	wrdreg s5  }
0xb0: {  	[dreg:$0x4] =	wrdreg $0xC0  }
0xb1: {  	_ =	task [dreg:s7], $0x5FFFF  }
0xb2: {  	[dreg:$0x1] =	wrdreg $0xFFFFFFFF  }
0xb3: {  	[dreg:$0x0] =	wrdreg $0x60  }
0xb4: {  	[dreg:$0x2] =	wrdreg s16  }
0xb5: {  	[dreg:$0x3] =	wrdreg s24  }
0xb6: {  	[dreg:$0x4] =	wrdreg $0x9  }
0xb7: {  	_ =	task.clear_ibuf [dreg:s7], $0x5FFFF;
	_ =	strace $0x90000046  }
0xb8: {  	s29 =	simm.s32 $0x9;
	_ =	strace $0x80000048  }
0xb9: {  	_ =	swait.ge [sflag:s29], $0x1  }
0xba: {  	[sflag:s29] =	ssyncadd.s32 $0xFFFFFFFF  }
0xbb: {  	_ =	strace $0x90000048  }
0xbc: {  	_ =	sfence  }
0xbd: {  	s30 =	sld [smem:$0x0];
	_ =	sdelay $0x2  }
0xbe: {  	s31 =	sshll.u32 s1, $0xD;
	s1 =	sshrl.u32 s1, $0x2  }
0xbf: {  	s3 =	sand.u32 $0x4000, s31;
	s1 =	sadd.s32 s1, s30  }
0xc0: {  	s0 =	sor.u32 s3, s0;
	s1 =	sshll.u32 s1, $0x11  }
0xc1: {  	s0 =	sor.u32 s1, s0  }
0xc2: {  	s0 =	sadd.s32 $0x8F2B, s0  }
0xc3: {  	[sflag:s0] =	ssyncadd.remote.s32 $0x1  }
0xc4: {  	_ =	sfence.sel $0xFFFF  }
0xc5: {  	[dreg:$0x0] =	wrdreg $0xFFFFFFFF;
	(pc) =	sbr.abs _section_cstart, $3  }
0xc6: {  	[dreg:$0x1] =	wrdreg $0xFFFFFFFF  }
0xc7: {  	_ =	task.clear_ibuf [dreg:s7], $0x2FFFF;
	_ =	strace $0x9FFFFFFF  }
0xc8: {  	(tm) =	ssettm $0x7FFFFFFF  }
0xc9: {  	_ =	shalt  }
tec
execute0_lowered:
.L_overlay_start_1:
0x0: {  	(tag) =	ssettag $0x1  }
0x1: {  	s1 =	srdreg.scid;
	s0 =	stileid.u32  }
0x2: {  	s2 =	rddreg [dreg:$0x0];
	s10 =	sand.u32 $0x1, s1;
	s29 =	sshll.u32 s0, $0x1  }
0x3: {  	s11 =	rddreg [dreg:$0x1];
	s12 =	sor.u32 s10, s29  }
0x4: {  	s3 =	simm.s32 $0x0;
	s1 =	rddreg [dreg:$0x2];
	s4 =	sshll.u32 s12, $0x5  }
0x5: {  	[smem:$0x7FF] =	sst s3;
	s4 =	sadd.s32 s4, s11  }
0x6: {  	_ =	strace $0x80000047;
	s5 =	sadd.s32 $0x200, s4;
	s4 =	simm.s32 $0x2  }
0x7: {  	[tilespmem:s3], [sflag:$0x2] =	stream.linear.gather [hbm4b:s5+s3], $0x100, $0x38;
	[tilespmem:$0x2100] =	vst v63  }
0x8: {  	_ =	swait.ge [sflag:s4], $0x100  }
0x9: {  	[sflag:s4] =	ssyncset.done $0x0  }
0xa: {  	s6 =	simm.s32 $0x80;
	s7 =	simm.s32 $0x100;
	[sflag:s4] =	ssyncadd.s32 $0xFFFFFF00  }
0xb: {  	[tilespmem:s7], [sflag:$0x1] =	stream.indirect.gather [hbm4b:s2+s6], $0x20, s3, s6, $0xb8;
	[tilespmem:$0x2100] =	vst v63  }
0xc: {  	s8 =	simm.s32 $0x1100;
	s9 =	simm.s32 $0x1;
	s10 =	ssub.s32 $0x2, s10  }
0xd: {  	[tilespmem:s8], [sflag:$0x1] =	stream.indirect.gather [hbm4b:s2+s6], $0x20, s6, s6, $0xb8;
	[tilespmem:$0x2100] =	vst v63  }
0xe: {  	s13 =	sshrl.u32 s10, $0x1;
	_ =	swait.ge [sflag:s9], $0x1000  }
0xf: {  	s30 =	ssub.s32 s10, s13;
	[sflag:s9] =	ssyncset.done $0x0  }
0x10: {  	s31 =	smax.u32 s30, $0x1;
	[sflag:s9] =	ssyncadd.s32 $0xFFFFF000  }
0x11: {  	s12 =	sshll.u32 s12, $0xA;
	p0 =	sne.s32 s31, $0x1;
	_ =	swait.ge [sflag:s9], $0x1000  }
.Ltmp0:
0x12: {  	s11 =	sadd.s32 s12, s11;
	[sflag:s9] =	ssyncset.done $0x0;
	(pc) =	sbr.rel @!p0 .LBB2_2-.Ltmp0, $4  }
0x13: {  	s10 =	sadd.s32 $0x600, s11;
	[sflag:s9] =	ssyncadd.s32 $0xFFFFF000  }
0x14: {  	[hbm4b:s10+s3] =	stream.linear.scatter [tilespmem:s7], [sflag:$0x2], $0x2000, $0x38;
	[tilespmem:$0x2100] =	vst v63  }
0x15: {  	_ =	swait.ge [sflag:s4], $0x2000  }
0x16: {  	s11 =	sadd.s32 $0xFFFFFFFF, s31;
	[sflag:s4] =	ssyncset.done $0x0  }
.LBB2_1:
0x17: {  	p0 =	sne.s32 s11, $0x1;
	s11 =	sadd.s32 $0xFFFFFFFF, s11;
	[sflag:s4] =	ssyncadd.s32 $0xFFFFE000  }
0x18: {  	[tilespmem:s3], [sflag:$0x2] =	stream.linear.gather [hbm4b:s5+s3], $0x100, $0x38;
	[tilespmem:$0x2100] =	vst v63  }
0x19: {  	_ =	swait.ge [sflag:s4], $0x100  }
0x1a: {  	[sflag:s4] =	ssyncset.done $0x0  }
0x1b: {  	[sflag:s4] =	ssyncadd.s32 $0xFFFFFF00  }
0x1c: {  	[tilespmem:s7], [sflag:$0x1] =	stream.indirect.gather [hbm4b:s2+s6], $0x20, s3, s6, $0xb8;
	[tilespmem:$0x2100] =	vst v63  }
0x1d: {  	_ = 	snop  }
0x1e: {  	[tilespmem:s8], [sflag:$0x1] =	stream.indirect.gather [hbm4b:s2+s6], $0x20, s6, s6, $0xb8;
	[tilespmem:$0x2100] =	vst v63  }
0x1f: {  	_ =	swait.ge [sflag:s9], $0x1000  }
0x20: {  	[sflag:s9] =	ssyncset.done $0x0  }
0x21: {  	[sflag:s9] =	ssyncadd.s32 $0xFFFFF000  }
0x22: {  	_ =	swait.ge [sflag:s9], $0x1000  }
.Ltmp1:
0x23: {  	[sflag:s9] =	ssyncset.done $0x0;
	(pc) =	sbr.rel @p0 .LBB2_1-.Ltmp1, $4  }
0x24: {  	[sflag:s9] =	ssyncadd.s32 $0xFFFFF000  }
0x25: {  	[hbm4b:s10+s3] =	stream.linear.scatter [tilespmem:s7], [sflag:$0x2], $0x2000, $0x38;
	[tilespmem:$0x2100] =	vst v63  }
0x26: {  	_ =	swait.ge [sflag:s4], $0x2000  }
0x27: {  	[sflag:s4] =	ssyncset.done $0x0  }
.LBB2_2:
0x28: {  	[sflag:s4] =	ssyncadd.s32 $0xFFFFE000  }
0x29: {  	_ =	sfence.sel $0x180000  }
0x2a: {  	[bflag:$0x0] =	sbarrier.arrive $0xFFFF  }
0x2b: {  	p0 =	sne.s32 s0, $0x0;
	_ =	strace $0x90000047  }
0x2c: {  	s0 =	sadd.s32 @!p0 $0x100000, s1;
	[bflag:$0x2] =	sbarrier.arrive $0xFFFF  }
0x2d: {  	[sflag:s0] =	ssyncadd.tile.s32 @!p0 $0x1;
	_ =	shalt  }
.Lfunc_end2:
_tile_overlayer_lowered:
.L_overlay_start_2:
0x2e: {  	(tag) =	ssettag $0x2  }
0x2f: {  	s0 =	rddreg [dreg:$0x0];
	s2 =	stileid.u32  }
0x30: {  	s1 =	rddreg [dreg:$0x1];
	p0 =	sne.s32 s2, $0x0  }
0x31: {  	s3 =	rddreg [dreg:$0x2];
	[bflag:$0x3] =	sbarrier.arrive $0xFFFF;
	s2 =	simm.s32 @!p0 $0x1C02  }
0x32: {  	[timem:s3], [sflag:s2] =	dma.local @!p0 [hbm:s0], s1  }
0x33: {  	s0 =	simm.s32 @!p0 $0x2  }
0x34: {  	_ =	swait.ge @!p0 [sflag:s0], s1  }
0x35: {  	s1 =	ssub.s32 @!p0 $0x0, s1;
	[sflag:s0] =	ssyncset.done @!p0 $0x0  }
0x36: {  	[sflag:s0] =	ssyncadd.s32 @!p0 s1  }
0x37: {  	[bflag:$0x3] =	sbarrier.arrive $0xFFFF  }
0x38: {  	_ =	shalt  }

</sc_bundles>
